<compile_context>
chip_gen: v7x
topology: tpu7x:2x2x1
jax: 0.10.2.dev20260603
libtpu: 0.0.44.dev20260713+nightly
codegen_flags: <defaults>
</compile_context>

<pallas_src>
import functools

import jax
import jax.numpy as jnp
from jax import lax
from jax.experimental import pallas as pl
from jax.experimental.pallas import tpu as pltpu
from jax.experimental.pallas import tpu_sc as plsc

_N = 32768
_B = 128
_L = 16
_CHUNKS = _N // _L
_NW = 32
_ROWS_PER_W = _B // _NW
_EPS = 1e-8
_INT_MIN = -2147483648
_TB = 12


def _key_to_f32(k):
    i = jnp.where(k < 0, k ^ jnp.int32(0x7FFFFFFF), k)
    return lax.bitcast_convert_type(i, jnp.float32)


def _sc_body(x_hbm, r_hbm, o_hbm, xv, kv, nv, rv):
    c = lax.axis_index("c")
    s = lax.axis_index("s")
    wid = s * 2 + c
    pltpu.sync_copy(r_hbm, rv)

    for ri in range(_ROWS_PER_W):
        row = wid * _ROWS_PER_W + ri
        pltpu.sync_copy(x_hbm.at[row], xv)
        rchunk = rv[pl.ds((row // _L) * _L, _L)]
        lane = lax.iota(jnp.int32, _L)
        rrow = jnp.broadcast_to(
            jnp.max(
                jnp.where(lane == row % _L, rchunk, jnp.float32(-jnp.inf))
            ),
            (_L,),
        )

        def mx_body(i, acc):
            return jnp.maximum(acc, xv[pl.ds(i * _L, _L)])

        mvec = lax.fori_loop(
            0, _CHUNKS, mx_body, jnp.full((_L,), -jnp.inf, jnp.float32)
        )
        m = jnp.broadcast_to(jnp.max(mvec), (_L,))

        def key_body(i, carry):
            zc, nm = carry
            v = xv[pl.ds(i * _L, _L)]
            im = v - m
            zm = jnp.exp(im) == 0.0
            zc = zc + plsc.all_reduce_population_count(zm)
            nm = nm + plsc.all_reduce_population_count(im == 0.0)
            xmm = im * (1.0 - zm.astype(jnp.float32))
            ib = lax.bitcast_convert_type(xmm, jnp.int32)
            kv[pl.ds(i * _L, _L)] = jnp.where(
                ib < 0, ib ^ jnp.int32(0x7FFFFFFF), ib
            )
            return zc, nm

        zc, nm = lax.fori_loop(
            0,
            _CHUNKS,
            key_body,
            (jnp.zeros((_L,), jnp.int32), jnp.zeros((_L,), jnp.int32)),
        )

        zf = zc.astype(jnp.float32) * (1.0 / _N)
        q = jnp.clip((rrow - zf) / (1.0 - zf), 0.0, 1.0)
        idx = q * jnp.float32(_N - 1)
        k = idx.astype(jnp.int32)
        frac = idx - k.astype(jnp.float32)
        ps0 = jnp.where(
            jnp.full((_L,), _N, jnp.int32) - nm <= k,
            jnp.zeros((_L,), jnp.int32),
            jnp.full((_L,), jnp.int32(_INT_MIN)),
        )

        def search(it, ps):
            cand = ps + (jnp.int32(1) << (jnp.int32(30) - it))

            def cnt_body(i, a):
                kk = kv[pl.ds(i * _L, _L)]
                return a + plsc.all_reduce_population_count(kk < cand)

            cnt = lax.fori_loop(
                0, _CHUNKS, cnt_body, jnp.zeros((_L,), jnp.int32)
            )
            return jnp.where(cnt <= k, cand, ps)

        ps = lax.fori_loop(0, 31 - _TB, search, ps0)

        def ah_body(i, carry):
            cl, gm = carry
            kk = kv[pl.ds(i * _L, _L)]
            ltn = kk < ps + jnp.int32(1 << _TB)
            cl = cl + plsc.all_reduce_population_count(ltn)
            gm = jnp.minimum(gm, jnp.where(ltn, jnp.int32(2147483647), kk))
            return cl, gm

        cl, gmv = lax.fori_loop(
            0,
            _CHUNKS,
            ah_body,
            (
                jnp.zeros((_L,), jnp.int32),
                jnp.full((_L,), jnp.int32(2147483647)),
            ),
        )
        gm = jnp.broadcast_to(jnp.min(gmv), (_L,)) & jnp.int32(
            ~((1 << _TB) - 1)
        )
        a_low = _key_to_f32(ps)
        a_high = _key_to_f32(jnp.where(cl >= k + 2, ps, gm))
        a_high = jnp.where(frac > 0.0, a_high, a_low)
        quant = a_low * (1.0 - frac) + a_high * frac
        t = _EPS - quant

        def sm1(i, dn):
            v = xv[pl.ds(i * _L, _L)]
            im = v - m
            num = jnp.exp(im) * jnp.maximum(im + t, 0.0)
            nv[pl.ds(i * _L, _L)] = num
            return dn + num

        dnv = lax.fori_loop(0, _CHUNKS, sm1, jnp.zeros((_L,), jnp.float32))
        inv = jnp.full((_L,), 1.0, jnp.float32) / jnp.broadcast_to(
            jnp.sum(dnv), (_L,)
        )

        def sm2(i, z):
            nv[pl.ds(i * _L, _L)] = nv[pl.ds(i * _L, _L)] * inv
            return z

        lax.fori_loop(0, _CHUNKS, sm2, jnp.int32(0))
        pltpu.sync_copy(nv, o_hbm.at[row])


@jax.jit
def _rsoftmax_sc(x, r):
    mesh = plsc.VectorSubcoreMesh(core_axis_name="c", subcore_axis_name="s")
    kfn = functools.partial(
        pl.kernel,
        mesh=mesh,
        out_type=jax.ShapeDtypeStruct((_B, _N), jnp.float32),
        scratch_types=[
            pltpu.VMEM((_N,), jnp.float32),
            pltpu.VMEM((_N,), jnp.int32),
            pltpu.VMEM((_N,), jnp.float32),
            pltpu.VMEM((_B,), jnp.float32),
        ],
        compiler_params=pltpu.CompilerParams(needs_layout_passes=False),
    )(_sc_body)
    return kfn(x, r.reshape(_B))


def kernel(input, r):
    return _rsoftmax_sc(input, r)

# --- scband reference (transcript-rebuilt; emitter-appended) ---
"""Pipeline reference for scband-rsoftmax-48704929136835 (READ-ONLY COPY).

The authoritative reference and input builder live on the scoring server;
editing this copy changes nothing except your own understanding.
"""

import jax, jax.numpy as jnp
import numpy as np


def setup_inputs(seed: int = 0) -> dict:
    key = jax.random.key(seed)
    k1, k2 = jax.random.split(key)
    inp = jax.random.normal(k1, (128, 32768), dtype=jnp.float32)
    r = jax.random.uniform(k2, (128, 1), dtype=jnp.float32)
    return {"input": inp, "r": r}


def _calculate_t(x, r, eps=1e-08):
    # mirrors RSoftmax.calculate_t with dim=-1 for 2D input (q.ndim > 1 branch)
    maxes = jnp.max(x, axis=-1, keepdims=True)
    input_minus_maxes = x - maxes
    zeros_mask = jnp.exp(input_minus_maxes) == 0.0
    zeros_frac = zeros_mask.sum(axis=-1, keepdims=True).astype(jnp.float32) / input_minus_maxes.shape[-1]
    q = jnp.clip((r - zeros_frac) / (1.0 - zeros_frac), 0.0, 1.0)
    x_minus_maxes = input_minus_maxes * (~zeros_mask).astype(jnp.float32)
    qv = q.reshape(-1)
    # torch computes quantile(x, q_vec) -> [B, B, 1] then takes the diagonal;
    # the diagonal is exactly the per-row quantile at that row's q, so vmap is faithful.
    t_rows = -jax.vmap(lambda row, qq: jnp.quantile(row, qq, method="linear"))(x_minus_maxes, qv)
    t = jax.lax.stop_gradient(t_rows)[:, None] + eps  # detach() in torch
    return t


def _tsoftmax(x, t):
    maxes = jnp.max(x, axis=-1, keepdims=True)
    input_minus_maxes = x - maxes
    w = jax.nn.relu(input_minus_maxes + t)
    e_x = jnp.exp(input_minus_maxes)
    num = e_x * w
    return num / jnp.sum(num, axis=-1, keepdims=True)


def reference(input, r):
    t = _calculate_t(input, r, eps=1e-08)
    return _tsoftmax(input, t)

if __name__ == "__main__":
    import jax
    _d = setup_inputs()
    print(jax.jit(kernel)(*tuple(_d.values())))

</pallas_src>

<mosaic_0001>
#map = affine_map<(d0, d1) -> (0, 0)>
#map1 = affine_map<(d0, d1) -> (0)>
module attributes {stable_mosaic.version = 14 : i64} {
  func.func @_sc_body(%arg0: i32, %arg1: i32, %arg2: memref<128x32768xf32, #tpu.memory_space<hbm>>, %arg3: memref<128xf32, #tpu.memory_space<hbm>>, %arg4: memref<128x32768xf32, #tpu.memory_space<hbm>>, %arg5: memref<32768xf32, #tpu.memory_space<vmem>>, %arg6: memref<32768xi32, #tpu.memory_space<vmem>>, %arg7: memref<32768xf32, #tpu.memory_space<vmem>>, %arg8: memref<128xf32, #tpu.memory_space<vmem>>) attributes {dimension_semantics = [#tpu.dimension_semantics<core_parallel>, #tpu.dimension_semantics<subcore_parallel>], iteration_bounds = array<i64: 2, 16>, scalar_prefetch = 0 : i64, scratch_operands = 4 : i64, tpu.core_type = #tpu.core_type<sc_vector_subcore>, window_params = [{transform_indices = #map}, {transform_indices = #map1}, {transform_indices = #map}]} {
    %mul3A = arith.constant 2 : i32
    %mul3A_0 = arith.muli %arg1, %mul3A : i32
    %add3A = arith.addi %mul3A_0, %arg0 : i32
    "tpu.region"() ({
      %run_scoped3A = tpu.sem_alloc : memref<!tpu.dma_semaphore, #tpu.memory_space<semaphore_mem>>
      tpu.enqueue_dma source(%arg3 : memref<128xf32, #tpu.memory_space<hbm>>) target(%arg8 : memref<128xf32, #tpu.memory_space<vmem>>) target_semaphore(%run_scoped3A : memref<!tpu.dma_semaphore, #tpu.memory_space<semaphore_mem>>)
      tpu.wait_dma2 semaphore(%run_scoped3A : memref<!tpu.dma_semaphore, #tpu.memory_space<semaphore_mem>>) src(%arg3 : memref<128xf32, #tpu.memory_space<hbm>>) dst(%arg8 : memref<128xf32, #tpu.memory_space<vmem>>)
      tpu.yield
    }) : () -> ()
    %mul3A_1 = arith.constant 4 : i32
    %mul3A_2 = arith.muli %add3A, %mul3A_1 : i32
    %add3A_3 = arith.constant 0 : i32
    %add3A_4 = arith.addi %mul3A_2, %add3A_3 : i32
    "tpu.region"() ({
      %run_scoped3A = tpu.sem_alloc : memref<!tpu.dma_semaphore, #tpu.memory_space<semaphore_mem>>
      %dma_start3A = arith.constant 0 : i32
      %dma_start3A_760 = tpu.memref_slice %arg2[%add3A_4, %dma_start3A] : memref<128x32768xf32, #tpu.memory_space<hbm>> -> memref<1x32768xf32, #tpu.memory_space<hbm>>
      %dma_start3A_761 = tpu.memref_squeeze %dma_start3A_760 : memref<1x32768xf32, #tpu.memory_space<hbm>> -> memref<32768xf32, #tpu.memory_space<hbm>>
      %dma_start3A_762 = arith.constant 0 : i32
      %dma_start3A_763 = tpu.memref_slice %arg2[%add3A_4, %dma_start3A_762] : memref<128x32768xf32, #tpu.memory_space<hbm>> -> memref<1x32768xf32, #tpu.memory_space<hbm>>
      %dma_start3A_764 = tpu.memref_squeeze %dma_start3A_763 : memref<1x32768xf32, #tpu.memory_space<hbm>> -> memref<32768xf32, #tpu.memory_space<hbm>>
      tpu.enqueue_dma source(%dma_start3A_764 : memref<32768xf32, #tpu.memory_space<hbm>>) target(%arg5 : memref<32768xf32, #tpu.memory_space<vmem>>) target_semaphore(%run_scoped3A : memref<!tpu.dma_semaphore, #tpu.memory_space<semaphore_mem>>)
      %dma_wait3A = arith.constant 0 : i32
      %dma_wait3A_765 = tpu.memref_slice %arg2[%add3A_4, %dma_wait3A] : memref<128x32768xf32, #tpu.memory_space<hbm>> -> memref<1x32768xf32, #tpu.memory_space<hbm>>
      %dma_wait3A_766 = tpu.memref_squeeze %dma_wait3A_765 : memref<1x32768xf32, #tpu.memory_space<hbm>> -> memref<32768xf32, #tpu.memory_space<hbm>>
      %dma_wait3A_767 = arith.constant 0 : i32
      %dma_wait3A_768 = tpu.memref_slice %arg2[%add3A_4, %dma_wait3A_767] : memref<128x32768xf32, #tpu.memory_space<hbm>> -> memref<1x32768xf32, #tpu.memory_space<hbm>>
      %dma_wait3A_769 = tpu.memref_squeeze %dma_wait3A_768 : memref<1x32768xf32, #tpu.memory_space<hbm>> -> memref<32768xf32, #tpu.memory_space<hbm>>
      tpu.wait_dma2 semaphore(%run_scoped3A : memref<!tpu.dma_semaphore, #tpu.memory_space<semaphore_mem>>) src(%dma_wait3A_769 : memref<32768xf32, #tpu.memory_space<hbm>>) dst(%arg5 : memref<32768xf32, #tpu.memory_space<vmem>>)
      tpu.yield
    }) : () -> ()
    %jit3A = arith.constant 16 : i32
    %div3A = arith.divsi %add3A_4, %jit3A : i32
    %sign3A = arith.constant 0 : i32
    %sign3A_5 = arith.cmpi sgt, %add3A_4, %sign3A : i32
    %sign3A_6 = arith.extui %sign3A_5 : i1 to i32
    %sign3A_7 = arith.constant 0 : i32
    %sign3A_8 = arith.cmpi slt, %add3A_4, %sign3A_7 : i32
    %sign3A_9 = arith.extui %sign3A_8 : i1 to i32
    %sign3A_10 = arith.subi %sign3A_6, %sign3A_9 : i32
    %sign3A_11 = arith.constant 0 : i32
    %sign3A_12 = arith.cmpi sgt, %jit3A, %sign3A_11 : i32
    %sign3A_13 = arith.extui %sign3A_12 : i1 to i32
    %sign3A_14 = arith.constant 0 : i32
    %sign3A_15 = arith.cmpi slt, %jit3A, %sign3A_14 : i32
    %sign3A_16 = arith.extui %sign3A_15 : i1 to i32
    %sign3A_17 = arith.subi %sign3A_13, %sign3A_16 : i32
    %ne3A = arith.cmpi ne, %sign3A_10, %sign3A_17 : i32
    %rem3A = arith.remsi %add3A_4, %jit3A : i32
    %ne3A_18 = arith.constant 0 : i32
    %ne3A_19 = arith.cmpi ne, %rem3A, %ne3A_18 : i32
    %and3A = arith.andi %ne3A, %ne3A_19 : i1
    %sub3A = arith.constant 1 : i32
    %sub3A_20 = arith.subi %div3A, %sub3A : i32
    %select_n3A = arith.select %and3A, %sub3A_20, %div3A : i32
    %mul3A_21 = arith.constant 16 : i32
    %mul3A_22 = arith.muli %select_n3A, %mul3A_21 : i32
    %get3A = arith.index_cast %mul3A_22 : i32 to index
    %get3A_23 = tpu.vector_load %arg8[%get3A] {strides = array<i32>} : memref<128xf32, #tpu.memory_space<vmem>>, vector<16xf32>,
    %iota3A = tpu.iota {dimensions = array<i32: 0>} : vector<16xi32>
    %jit3A_24 = arith.constant 16 : i32
    %eq3A = arith.constant 0 : i32
    %eq3A_25 = arith.cmpi eq, %jit3A_24, %eq3A : i32
    %jit3A_26 = arith.constant 1 : i32
    %select_n3A_27 = arith.select %eq3A_25, %jit3A_26, %jit3A_24 : i32
    %rem3A_28 = arith.remsi %add3A_4, %select_n3A_27 : i32
    %ne3A_29 = arith.constant 0 : i32
    %ne3A_30 = arith.cmpi ne, %rem3A_28, %ne3A_29 : i32
    %lt3A = arith.constant 0 : i32
    %lt3A_31 = arith.cmpi slt, %rem3A_28, %lt3A : i32
    %lt3A_32 = arith.constant 0 : i32
    %lt3A_33 = arith.cmpi slt, %select_n3A_27, %lt3A_32 : i32
    %ne3A_34 = arith.xori %lt3A_31, %lt3A_33 : i1
    %and3A_35 = arith.andi %ne3A_34, %ne3A_30 : i1
    %add3A_36 = arith.addi %rem3A_28, %select_n3A_27 : i32
    %select_n3A_37 = arith.select %and3A_35, %add3A_36, %rem3A_28 : i32
    %eq3A_38 = vector.broadcast %select_n3A_37 : i32 to vector<16xi32>
    %eq3A_39 = arith.cmpi eq, %iota3A, %eq3A_38 : vector<16xi32>
    %jit3A_40 = arith.constant 0xFF800000 : f32
    %broadcast_in_dim3A = vector.broadcast %jit3A_40 : f32 to vector<16xf32>
    %select_n3A_41 = arith.select %eq3A_39, %get3A_23, %broadcast_in_dim3A : vector<16xi1>, vector<16xf32>
    %reduce_max3A = arith.constant true
    %reduce_max3A_42 = vector.broadcast %reduce_max3A : i1 to vector<16xi1>
    %reduce_max3A_43 = tpu.scan <max>, %select_n3A_41 masked %reduce_max3A_42 : vector<16xf32>, vector<16xi1> -> vector<16xf32>
    %reduce_max3A_44 = vector.extract %reduce_max3A_43[15] : f32 from vector<16xf32>
    %broadcast_in_dim3A_45 = vector.broadcast %reduce_max3A_44 : f32 to vector<16xf32>
    %broadcast_in_dim3A_46 = arith.constant 0xFF800000 : f32
    %broadcast_in_dim3A_47 = vector.broadcast %broadcast_in_dim3A_46 : f32 to vector<16xf32>
    %scan3A = arith.constant 0 : i32
    %scan3A_48 = arith.constant 2048 : i32
    %scan3A_49 = arith.addi %scan3A, %scan3A_48 : i32
    %scan3A_50 = arith.constant 1 : i32
    %scan3A_51 = scf.for %scan3A_760 = %scan3A to %scan3A_49 step %scan3A_50 iter_args(%scan3A_761 = %broadcast_in_dim3A_47) -> (vector<16xf32>)  : i32 {
      %mul3A_762 = arith.constant 16 : i32
      %mul3A_763 = arith.muli %scan3A_760, %mul3A_762 : i32
      %get3A_764 = arith.index_cast %mul3A_763 : i32 to index
      %get3A_765 = tpu.vector_load %arg5[%get3A_764] {strides = array<i32>} : memref<32768xf32, #tpu.memory_space<vmem>>, vector<16xf32>,
      %max3A_766 = arith.maximumf %scan3A_761, %get3A_765 : vector<16xf32>
      scf.yield %max3A_766 : vector<16xf32>
    }
    %scan3A_52 = arith.constant 2048 : i32
    %reduce_max3A_53 = arith.constant true
    %reduce_max3A_54 = vector.broadcast %reduce_max3A_53 : i1 to vector<16xi1>
    %reduce_max3A_55 = tpu.scan <max>, %scan3A_51 masked %reduce_max3A_54 : vector<16xf32>, vector<16xi1> -> vector<16xf32>
    %reduce_max3A_56 = vector.extract %reduce_max3A_55[15] : f32 from vector<16xf32>
    %broadcast_in_dim3A_57 = vector.broadcast %reduce_max3A_56 : f32 to vector<16xf32>
    %broadcast_in_dim3A_58 = arith.constant 0 : i32
    %broadcast_in_dim3A_59 = vector.broadcast %broadcast_in_dim3A_58 : i32 to vector<16xi32>
    %broadcast_in_dim3A_60 = arith.constant 0 : i32
    %broadcast_in_dim3A_61 = vector.broadcast %broadcast_in_dim3A_60 : i32 to vector<16xi32>
    %scan3A_62 = arith.constant 0 : i32
    %scan3A_63 = arith.constant 2048 : i32
    %scan3A_64 = arith.addi %scan3A_62, %scan3A_63 : i32
    %scan3A_65 = arith.constant 1 : i32
    %scan3A_66:2 = scf.for %scan3A_760 = %scan3A_62 to %scan3A_64 step %scan3A_65 iter_args(%scan3A_761 = %broadcast_in_dim3A_59, %scan3A_762 = %broadcast_in_dim3A_61) -> (vector<16xi32>, vector<16xi32>)  : i32 {
      %mul3A_763 = arith.constant 16 : i32
      %mul3A_764 = arith.muli %scan3A_760, %mul3A_763 : i32
      %get3A_765 = arith.index_cast %mul3A_764 : i32 to index
      %get3A_766 = tpu.vector_load %arg5[%get3A_765] {strides = array<i32>} : memref<32768xf32, #tpu.memory_space<vmem>>, vector<16xf32>,
      %sub3A_767 = arith.subf %get3A_766, %broadcast_in_dim3A_57 : vector<16xf32>
      %exp3A = math.exp %sub3A_767 : vector<16xf32>
      %eq3A_768 = arith.constant 0.000000e+00 : f32
      %eq3A_769 = vector.broadcast %eq3A_768 : f32 to vector<16xf32>
      %eq3A_770 = arith.cmpf oeq, %exp3A, %eq3A_769 : vector<16xf32>
      %all_reduce_population_count3A = tpu.all_reduce %eq3A_770 {dim = 0 : i64, kind = #tpu.reduction_kind<sum>} : vector<16xi1> -> vector<16xi32>
      %add3A_771 = arith.addi %scan3A_761, %all_reduce_population_count3A : vector<16xi32>
      %eq3A_772 = arith.constant 0.000000e+00 : f32
      %eq3A_773 = vector.broadcast %eq3A_772 : f32 to vector<16xf32>
      %eq3A_774 = arith.cmpf oeq, %sub3A_767, %eq3A_773 : vector<16xf32>
      %all_reduce_population_count3A_775 = tpu.all_reduce %eq3A_774 {dim = 0 : i64, kind = #tpu.reduction_kind<sum>} : vector<16xi1> -> vector<16xi32>
      %add3A_776 = arith.addi %scan3A_762, %all_reduce_population_count3A_775 : vector<16xi32>
      %convert_element_type3A_777 = arith.extui %eq3A_770 : vector<16xi1> to vector<16xi32>
      %convert_element_type3A_778 = arith.sitofp %convert_element_type3A_777 : vector<16xi32> to vector<16xf32>
      %sub3A_779 = arith.constant 1.000000e+00 : f32
      %sub3A_780 = vector.broadcast %sub3A_779 : f32 to vector<16xf32>
      %sub3A_781 = arith.subf %sub3A_780, %convert_element_type3A_778 : vector<16xf32>
      %mul3A_782 = arith.mulf %sub3A_767, %sub3A_781 : vector<16xf32>
      %bitcast_convert_type3A_783 = tpu.bitcast %mul3A_782 : vector<16xf32> -> vector<16xi32>
      %lt3A_784 = arith.constant 0 : i32
      %lt3A_785 = vector.broadcast %lt3A_784 : i32 to vector<16xi32>
      %lt3A_786 = arith.cmpi slt, %bitcast_convert_type3A_783, %lt3A_785 : vector<16xi32>
      %xor3A_787 = arith.constant 2147483647 : i32
      %xor3A_788 = vector.broadcast %xor3A_787 : i32 to vector<16xi32>
      %xor3A_789 = arith.xori %bitcast_convert_type3A_783, %xor3A_788 : vector<16xi32>
      %select_n3A_790 = arith.select %lt3A_786, %xor3A_789, %bitcast_convert_type3A_783 : vector<16xi1>, vector<16xi32>
      %mul3A_791 = arith.constant 16 : i32
      %mul3A_792 = arith.muli %scan3A_760, %mul3A_791 : i32
      %swap3A = arith.index_cast %mul3A_792 : i32 to index
      %swap3A_793 = tpu.vector_load %arg6[%swap3A] {strides = array<i32>} : memref<32768xi32, #tpu.memory_space<vmem>>, vector<16xi32>,
      tpu.vector_store %arg6[%swap3A], %select_n3A_790 {strides = array<i32>} : memref<32768xi32, #tpu.memory_space<vmem>>, vector<16xi32>,
      scf.yield %add3A_771, %add3A_776 : vector<16xi32>, vector<16xi32>
    }
    %scan3A_67 = arith.constant 2048 : i32
    %convert_element_type3A = arith.sitofp %scan3A_66#0 : vector<16xi32> to vector<16xf32>
    %mul3A_68 = arith.constant 3.05175781E-5 : f32
    %mul3A_69 = vector.broadcast %mul3A_68 : f32 to vector<16xf32>
    %mul3A_70 = arith.mulf %convert_element_type3A, %mul3A_69 : vector<16xf32>
    %sub3A_71 = arith.subf %broadcast_in_dim3A_45, %mul3A_70 : vector<16xf32>
    %sub3A_72 = arith.constant 1.000000e+00 : f32
    %sub3A_73 = vector.broadcast %sub3A_72 : f32 to vector<16xf32>
    %sub3A_74 = arith.subf %sub3A_73, %mul3A_70 : vector<16xf32>
    %div3A_75 = arith.divf %sub3A_71, %sub3A_74 : vector<16xf32>
    %jit3A_76 = arith.constant 0.000000e+00 : f32
    %jit3A_77 = arith.constant 1.000000e+00 : f32
    %max3A = vector.broadcast %jit3A_76 : f32 to vector<16xf32>
    %max3A_78 = arith.maximumf %max3A, %div3A_75 : vector<16xf32>
    %min3A = vector.broadcast %jit3A_77 : f32 to vector<16xf32>
    %min3A_79 = arith.minimumf %min3A, %max3A_78 : vector<16xf32>
    %mul3A_80 = arith.constant 3.276700e+04 : f32
    %mul3A_81 = vector.broadcast %mul3A_80 : f32 to vector<16xf32>
    %mul3A_82 = arith.mulf %min3A_79, %mul3A_81 : vector<16xf32>
    %convert_element_type3A_83 = arith.fptosi %mul3A_82 : vector<16xf32> to vector<16xi32>
    %convert_element_type3A_84 = arith.sitofp %convert_element_type3A_83 : vector<16xi32> to vector<16xf32>
    %sub3A_85 = arith.subf %mul3A_82, %convert_element_type3A_84 : vector<16xf32>
    %broadcast_in_dim3A_86 = arith.constant 32768 : i32
    %broadcast_in_dim3A_87 = vector.broadcast %broadcast_in_dim3A_86 : i32 to vector<16xi32>
    %sub3A_88 = arith.subi %broadcast_in_dim3A_87, %scan3A_66#1 : vector<16xi32>
    %le3A = arith.cmpi sle, %sub3A_88, %convert_element_type3A_83 : vector<16xi32>
    %broadcast_in_dim3A_89 = arith.constant 0 : i32
    %broadcast_in_dim3A_90 = vector.broadcast %broadcast_in_dim3A_89 : i32 to vector<16xi32>
    %broadcast_in_dim3A_91 = arith.constant -2147483648 : i32
    %broadcast_in_dim3A_92 = vector.broadcast %broadcast_in_dim3A_91 : i32 to vector<16xi32>
    %select_n3A_93 = arith.select %le3A, %broadcast_in_dim3A_90, %broadcast_in_dim3A_92 : vector<16xi1>, vector<16xi32>
    %scan3A_94 = arith.constant 0 : i32
    %scan3A_95 = arith.constant 19 : i32
    %scan3A_96 = arith.addi %scan3A_94, %scan3A_95 : i32
    %scan3A_97 = arith.constant 1 : i32
    %scan3A_98 = scf.for %scan3A_760 = %scan3A_94 to %scan3A_96 step %scan3A_97 iter_args(%scan3A_761 = %select_n3A_93) -> (vector<16xi32>)  : i32 {
      %sub3A_762 = arith.constant 30 : i32
      %sub3A_763 = arith.subi %sub3A_762, %scan3A_760 : i32
      %shift_left3A = arith.constant 1 : i32
      %shift_left3A_764 = arith.shli %shift_left3A, %sub3A_763 : i32
      %add3A_765 = vector.broadcast %shift_left3A_764 : i32 to vector<16xi32>
      %add3A_766 = arith.addi %scan3A_761, %add3A_765 : vector<16xi32>
      %broadcast_in_dim3A_767 = arith.constant 0 : i32
      %broadcast_in_dim3A_768 = vector.broadcast %broadcast_in_dim3A_767 : i32 to vector<16xi32>
      %scan3A_769 = arith.constant 0 : i32
      %scan3A_770 = arith.constant 2048 : i32
      %scan3A_771 = arith.addi %scan3A_769, %scan3A_770 : i32
      %scan3A_772 = arith.constant 1 : i32
      %scan3A_773 = scf.for %scan3A_777 = %scan3A_769 to %scan3A_771 step %scan3A_772 iter_args(%scan3A_778 = %broadcast_in_dim3A_768) -> (vector<16xi32>)  : i32 {
        %mul3A_779 = arith.constant 16 : i32
        %mul3A_780 = arith.muli %scan3A_777, %mul3A_779 : i32
        %get3A_781 = arith.index_cast %mul3A_780 : i32 to index
        %get3A_782 = tpu.vector_load %arg6[%get3A_781] {strides = array<i32>} : memref<32768xi32, #tpu.memory_space<vmem>>, vector<16xi32>,
        %lt3A_783 = arith.cmpi slt, %get3A_782, %add3A_766 : vector<16xi32>
        %all_reduce_population_count3A = tpu.all_reduce %lt3A_783 {dim = 0 : i64, kind = #tpu.reduction_kind<sum>} : vector<16xi1> -> vector<16xi32>
        %add3A_784 = arith.addi %scan3A_778, %all_reduce_population_count3A : vector<16xi32>
        scf.yield %add3A_784 : vector<16xi32>
      }
      %scan3A_774 = arith.constant 2048 : i32
      %le3A_775 = arith.cmpi sle, %scan3A_773, %convert_element_type3A_83 : vector<16xi32>
      %select_n3A_776 = arith.select %le3A_775, %add3A_766, %scan3A_761 : vector<16xi1>, vector<16xi32>
      scf.yield %select_n3A_776 : vector<16xi32>
    }
    %scan3A_99 = arith.constant 19 : i32
    %broadcast_in_dim3A_100 = arith.constant 0 : i32
    %broadcast_in_dim3A_101 = vector.broadcast %broadcast_in_dim3A_100 : i32 to vector<16xi32>
    %broadcast_in_dim3A_102 = arith.constant 2147483647 : i32
    %broadcast_in_dim3A_103 = vector.broadcast %broadcast_in_dim3A_102 : i32 to vector<16xi32>
    %scan3A_104 = arith.constant 0 : i32
    %scan3A_105 = arith.constant 2048 : i32
    %scan3A_106 = arith.addi %scan3A_104, %scan3A_105 : i32
    %scan3A_107 = arith.constant 1 : i32
    %scan3A_108:2 = scf.for %scan3A_760 = %scan3A_104 to %scan3A_106 step %scan3A_107 iter_args(%scan3A_761 = %broadcast_in_dim3A_101, %scan3A_762 = %broadcast_in_dim3A_103) -> (vector<16xi32>, vector<16xi32>)  : i32 {
      %mul3A_763 = arith.constant 16 : i32
      %mul3A_764 = arith.muli %scan3A_760, %mul3A_763 : i32
      %get3A_765 = arith.index_cast %mul3A_764 : i32 to index
      %get3A_766 = tpu.vector_load %arg6[%get3A_765] {strides = array<i32>} : memref<32768xi32, #tpu.memory_space<vmem>>, vector<16xi32>,
      %add3A_767 = arith.constant 4096 : i32
      %add3A_768 = vector.broadcast %add3A_767 : i32 to vector<16xi32>
      %add3A_769 = arith.addi %scan3A_98, %add3A_768 : vector<16xi32>
      %lt3A_770 = arith.cmpi slt, %get3A_766, %add3A_769 : vector<16xi32>
      %all_reduce_population_count3A = tpu.all_reduce %lt3A_770 {dim = 0 : i64, kind = #tpu.reduction_kind<sum>} : vector<16xi1> -> vector<16xi32>
      %add3A_771 = arith.addi %scan3A_761, %all_reduce_population_count3A : vector<16xi32>
      %jit3A_772 = arith.constant 2147483647 : i32
      %broadcast_in_dim3A_773 = vector.broadcast %jit3A_772 : i32 to vector<16xi32>
      %select_n3A_774 = arith.select %lt3A_770, %broadcast_in_dim3A_773, %get3A_766 : vector<16xi1>, vector<16xi32>
      %min3A_775 = arith.minsi %scan3A_762, %select_n3A_774 : vector<16xi32>
      scf.yield %add3A_771, %min3A_775 : vector<16xi32>, vector<16xi32>
    }
    %scan3A_109 = arith.constant 2048 : i32
    %reduce_min3A = arith.constant true
    %reduce_min3A_110 = vector.broadcast %reduce_min3A : i1 to vector<16xi1>
    %reduce_min3A_111 = arith.constant -2147483648 : i32
    %reduce_min3A_112 = vector.broadcast %reduce_min3A_111 : i32 to vector<16xi32>
    %reduce_min3A_113 = arith.xori %scan3A_108#1, %reduce_min3A_112 : vector<16xi32>
    %reduce_min3A_114 = tpu.scan <min>, %reduce_min3A_113 masked %reduce_min3A_110 : vector<16xi32>, vector<16xi1> -> vector<16xi32>
    %reduce_min3A_115 = arith.xori %reduce_min3A_114, %reduce_min3A_112 : vector<16xi32>
    %reduce_min3A_116 = vector.extract %reduce_min3A_115[15] : i32 from vector<16xi32>
    %broadcast_in_dim3A_117 = vector.broadcast %reduce_min3A_116 : i32 to vector<16xi32>
    %and3A_118 = arith.constant -4096 : i32
    %and3A_119 = vector.broadcast %and3A_118 : i32 to vector<16xi32>
    %and3A_120 = arith.andi %broadcast_in_dim3A_117, %and3A_119 : vector<16xi32>
    %lt3A_121 = arith.constant 0 : i32
    %lt3A_122 = vector.broadcast %lt3A_121 : i32 to vector<16xi32>
    %lt3A_123 = arith.cmpi slt, %scan3A_98, %lt3A_122 : vector<16xi32>
    %xor3A = arith.constant 2147483647 : i32
    %xor3A_124 = vector.broadcast %xor3A : i32 to vector<16xi32>
    %xor3A_125 = arith.xori %scan3A_98, %xor3A_124 : vector<16xi32>
    %select_n3A_126 = arith.select %lt3A_123, %xor3A_125, %scan3A_98 : vector<16xi1>, vector<16xi32>
    %bitcast_convert_type3A = tpu.bitcast %select_n3A_126 : vector<16xi32> -> vector<16xf32>
    %add3A_127 = arith.constant 2 : i32
    %add3A_128 = vector.broadcast %add3A_127 : i32 to vector<16xi32>
    %add3A_129 = arith.addi %convert_element_type3A_83, %add3A_128 : vector<16xi32>
    %ge3A = arith.cmpi sge, %scan3A_108#0, %add3A_129 : vector<16xi32>
    %select_n3A_130 = arith.select %ge3A, %scan3A_98, %and3A_120 : vector<16xi1>, vector<16xi32>
    %lt3A_131 = arith.constant 0 : i32
    %lt3A_132 = vector.broadcast %lt3A_131 : i32 to vector<16xi32>
    %lt3A_133 = arith.cmpi slt, %select_n3A_130, %lt3A_132 : vector<16xi32>
    %xor3A_134 = arith.constant 2147483647 : i32
    %xor3A_135 = vector.broadcast %xor3A_134 : i32 to vector<16xi32>
    %xor3A_136 = arith.xori %select_n3A_130, %xor3A_135 : vector<16xi32>
    %select_n3A_137 = arith.select %lt3A_133, %xor3A_136, %select_n3A_130 : vector<16xi1>, vector<16xi32>
    %bitcast_convert_type3A_138 = tpu.bitcast %select_n3A_137 : vector<16xi32> -> vector<16xf32>
    %gt3A = arith.constant 0.000000e+00 : f32
    %gt3A_139 = vector.broadcast %gt3A : f32 to vector<16xf32>
    %gt3A_140 = arith.cmpf ogt, %sub3A_85, %gt3A_139 : vector<16xf32>
    %select_n3A_141 = arith.select %gt3A_140, %bitcast_convert_type3A_138, %bitcast_convert_type3A : vector<16xi1>, vector<16xf32>
    %sub3A_142 = arith.constant 1.000000e+00 : f32
    %sub3A_143 = vector.broadcast %sub3A_142 : f32 to vector<16xf32>
    %sub3A_144 = arith.subf %sub3A_143, %sub3A_85 : vector<16xf32>
    %mul3A_145 = arith.mulf %bitcast_convert_type3A, %sub3A_144 : vector<16xf32>
    %mul3A_146 = arith.mulf %select_n3A_141, %sub3A_85 : vector<16xf32>
    %add3A_147 = arith.addf %mul3A_145, %mul3A_146 : vector<16xf32>
    %sub3A_148 = arith.constant 9.99999993E-9 : f32
    %sub3A_149 = vector.broadcast %sub3A_148 : f32 to vector<16xf32>
    %sub3A_150 = arith.subf %sub3A_149, %add3A_147 : vector<16xf32>
    %broadcast_in_dim3A_151 = arith.constant 0.000000e+00 : f32
    %broadcast_in_dim3A_152 = vector.broadcast %broadcast_in_dim3A_151 : f32 to vector<16xf32>
    %scan3A_153 = arith.constant 0 : i32
    %scan3A_154 = arith.constant 2048 : i32
    %scan3A_155 = arith.addi %scan3A_153, %scan3A_154 : i32
    %scan3A_156 = arith.constant 1 : i32
    %scan3A_157 = scf.for %scan3A_760 = %scan3A_153 to %scan3A_155 step %scan3A_156 iter_args(%scan3A_761 = %broadcast_in_dim3A_152) -> (vector<16xf32>)  : i32 {
      %mul3A_762 = arith.constant 16 : i32
      %mul3A_763 = arith.muli %scan3A_760, %mul3A_762 : i32
      %get3A_764 = arith.index_cast %mul3A_763 : i32 to index
      %get3A_765 = tpu.vector_load %arg5[%get3A_764] {strides = array<i32>} : memref<32768xf32, #tpu.memory_space<vmem>>, vector<16xf32>,
      %sub3A_766 = arith.subf %get3A_765, %broadcast_in_dim3A_57 : vector<16xf32>
      %exp3A = math.exp %sub3A_766 : vector<16xf32>
      %add3A_767 = arith.addf %sub3A_766, %sub3A_150 : vector<16xf32>
      %max3A_768 = arith.constant 0.000000e+00 : f32
      %max3A_769 = vector.broadcast %max3A_768 : f32 to vector<16xf32>
      %max3A_770 = arith.maximumf %add3A_767, %max3A_769 : vector<16xf32>
      %mul3A_771 = arith.mulf %exp3A, %max3A_770 : vector<16xf32>
      %mul3A_772 = arith.constant 16 : i32
      %mul3A_773 = arith.muli %scan3A_760, %mul3A_772 : i32
      %swap3A = arith.index_cast %mul3A_773 : i32 to index
      %swap3A_774 = tpu.vector_load %arg7[%swap3A] {strides = array<i32>} : memref<32768xf32, #tpu.memory_space<vmem>>, vector<16xf32>,
      tpu.vector_store %arg7[%swap3A], %mul3A_771 {strides = array<i32>} : memref<32768xf32, #tpu.memory_space<vmem>>, vector<16xf32>,
      %add3A_775 = arith.addf %scan3A_761, %mul3A_771 : vector<16xf32>
      scf.yield %add3A_775 : vector<16xf32>
    }
    %scan3A_158 = arith.constant 2048 : i32
    %broadcast_in_dim3A_159 = arith.constant 1.000000e+00 : f32
    %broadcast_in_dim3A_160 = vector.broadcast %broadcast_in_dim3A_159 : f32 to vector<16xf32>
    %reduce_sum3A = arith.constant true
    %reduce_sum3A_161 = vector.broadcast %reduce_sum3A : i1 to vector<16xi1>
    %reduce_sum3A_162 = tpu.scan <sum>, %scan3A_157 masked %reduce_sum3A_161 : vector<16xf32>, vector<16xi1> -> vector<16xf32>
    %reduce_sum3A_163 = vector.extract %reduce_sum3A_162[15] : f32 from vector<16xf32>
    %broadcast_in_dim3A_164 = vector.broadcast %reduce_sum3A_163 : f32 to vector<16xf32>
    %div3A_165 = arith.divf %broadcast_in_dim3A_160, %broadcast_in_dim3A_164 : vector<16xf32>
    %scan3A_166 = arith.constant 0 : i32
    %scan3A_167 = arith.constant 0 : i32
    %scan3A_168 = arith.constant 2048 : i32
    %scan3A_169 = arith.addi %scan3A_167, %scan3A_168 : i32
    %scan3A_170 = arith.constant 1 : i32
    scf.for %scan3A_760 = %scan3A_167 to %scan3A_169 step %scan3A_170  : i32 {
      %mul3A_761 = arith.constant 16 : i32
      %mul3A_762 = arith.muli %scan3A_760, %mul3A_761 : i32
      %get3A_763 = arith.index_cast %mul3A_762 : i32 to index
      %get3A_764 = tpu.vector_load %arg7[%get3A_763] {strides = array<i32>} : memref<32768xf32, #tpu.memory_space<vmem>>, vector<16xf32>,
      %mul3A_765 = arith.mulf %get3A_764, %div3A_165 : vector<16xf32>
      %mul3A_766 = arith.constant 16 : i32
      %mul3A_767 = arith.muli %scan3A_760, %mul3A_766 : i32
      %swap3A = arith.index_cast %mul3A_767 : i32 to index
      %swap3A_768 = tpu.vector_load %arg7[%swap3A] {strides = array<i32>} : memref<32768xf32, #tpu.memory_space<vmem>>, vector<16xf32>,
      tpu.vector_store %arg7[%swap3A], %mul3A_765 {strides = array<i32>} : memref<32768xf32, #tpu.memory_space<vmem>>, vector<16xf32>,
    }
    %scan3A_171 = arith.constant 2048 : i32
    "tpu.region"() ({
      %run_scoped3A = tpu.sem_alloc : memref<!tpu.dma_semaphore, #tpu.memory_space<semaphore_mem>>
      %dma_start3A = arith.constant 0 : i32
      %dma_start3A_760 = tpu.memref_slice %arg4[%add3A_4, %dma_start3A] : memref<128x32768xf32, #tpu.memory_space<hbm>> -> memref<1x32768xf32, #tpu.memory_space<hbm>>
      %dma_start3A_761 = tpu.memref_squeeze %dma_start3A_760 : memref<1x32768xf32, #tpu.memory_space<hbm>> -> memref<32768xf32, #tpu.memory_space<hbm>>
      %dma_start3A_762 = arith.constant 0 : i32
      %dma_start3A_763 = tpu.memref_slice %arg4[%add3A_4, %dma_start3A_762] : memref<128x32768xf32, #tpu.memory_space<hbm>> -> memref<1x32768xf32, #tpu.memory_space<hbm>>
      %dma_start3A_764 = tpu.memref_squeeze %dma_start3A_763 : memref<1x32768xf32, #tpu.memory_space<hbm>> -> memref<32768xf32, #tpu.memory_space<hbm>>
      tpu.enqueue_dma source(%arg7 : memref<32768xf32, #tpu.memory_space<vmem>>) target(%dma_start3A_764 : memref<32768xf32, #tpu.memory_space<hbm>>) target_semaphore(%run_scoped3A : memref<!tpu.dma_semaphore, #tpu.memory_space<semaphore_mem>>)
      %dma_wait3A = arith.constant 0 : i32
      %dma_wait3A_765 = tpu.memref_slice %arg4[%add3A_4, %dma_wait3A] : memref<128x32768xf32, #tpu.memory_space<hbm>> -> memref<1x32768xf32, #tpu.memory_space<hbm>>
      %dma_wait3A_766 = tpu.memref_squeeze %dma_wait3A_765 : memref<1x32768xf32, #tpu.memory_space<hbm>> -> memref<32768xf32, #tpu.memory_space<hbm>>
      %dma_wait3A_767 = arith.constant 0 : i32
      %dma_wait3A_768 = tpu.memref_slice %arg4[%add3A_4, %dma_wait3A_767] : memref<128x32768xf32, #tpu.memory_space<hbm>> -> memref<1x32768xf32, #tpu.memory_space<hbm>>
      %dma_wait3A_769 = tpu.memref_squeeze %dma_wait3A_768 : memref<1x32768xf32, #tpu.memory_space<hbm>> -> memref<32768xf32, #tpu.memory_space<hbm>>
      tpu.wait_dma2 semaphore(%run_scoped3A : memref<!tpu.dma_semaphore, #tpu.memory_space<semaphore_mem>>) src(%arg7 : memref<32768xf32, #tpu.memory_space<vmem>>) dst(%dma_wait3A_769 : memref<32768xf32, #tpu.memory_space<hbm>>)
      tpu.yield
    }) : () -> ()
    %mul3A_172 = arith.constant 4 : i32
    %mul3A_173 = arith.muli %add3A, %mul3A_172 : i32
    %add3A_174 = arith.constant 1 : i32
    %add3A_175 = arith.addi %mul3A_173, %add3A_174 : i32
    "tpu.region"() ({
      %run_scoped3A = tpu.sem_alloc : memref<!tpu.dma_semaphore, #tpu.memory_space<semaphore_mem>>
      %dma_start3A = arith.constant 0 : i32
      %dma_start3A_760 = tpu.memref_slice %arg2[%add3A_175, %dma_start3A] : memref<128x32768xf32, #tpu.memory_space<hbm>> -> memref<1x32768xf32, #tpu.memory_space<hbm>>
      %dma_start3A_761 = tpu.memref_squeeze %dma_start3A_760 : memref<1x32768xf32, #tpu.memory_space<hbm>> -> memref<32768xf32, #tpu.memory_space<hbm>>
      %dma_start3A_762 = arith.constant 0 : i32
      %dma_start3A_763 = tpu.memref_slice %arg2[%add3A_175, %dma_start3A_762] : memref<128x32768xf32, #tpu.memory_space<hbm>> -> memref<1x32768xf32, #tpu.memory_space<hbm>>
      %dma_start3A_764 = tpu.memref_squeeze %dma_start3A_763 : memref<1x32768xf32, #tpu.memory_space<hbm>> -> memref<32768xf32, #tpu.memory_space<hbm>>
      tpu.enqueue_dma source(%dma_start3A_764 : memref<32768xf32, #tpu.memory_space<hbm>>) target(%arg5 : memref<32768xf32, #tpu.memory_space<vmem>>) target_semaphore(%run_scoped3A : memref<!tpu.dma_semaphore, #tpu.memory_space<semaphore_mem>>)
      %dma_wait3A = arith.constant 0 : i32
      %dma_wait3A_765 = tpu.memref_slice %arg2[%add3A_175, %dma_wait3A] : memref<128x32768xf32, #tpu.memory_space<hbm>> -> memref<1x32768xf32, #tpu.memory_space<hbm>>
      %dma_wait3A_766 = tpu.memref_squeeze %dma_wait3A_765 : memref<1x32768xf32, #tpu.memory_space<hbm>> -> memref<32768xf32, #tpu.memory_space<hbm>>
      %dma_wait3A_767 = arith.constant 0 : i32
      %dma_wait3A_768 = tpu.memref_slice %arg2[%add3A_175, %dma_wait3A_767] : memref<128x32768xf32, #tpu.memory_space<hbm>> -> memref<1x32768xf32, #tpu.memory_space<hbm>>
      %dma_wait3A_769 = tpu.memref_squeeze %dma_wait3A_768 : memref<1x32768xf32, #tpu.memory_space<hbm>> -> memref<32768xf32, #tpu.memory_space<hbm>>
      tpu.wait_dma2 semaphore(%run_scoped3A : memref<!tpu.dma_semaphore, #tpu.memory_space<semaphore_mem>>) src(%dma_wait3A_769 : memref<32768xf32, #tpu.memory_space<hbm>>) dst(%arg5 : memref<32768xf32, #tpu.memory_space<vmem>>)
      tpu.yield
    }) : () -> ()
    %jit3A_176 = arith.constant 16 : i32
    %div3A_177 = arith.divsi %add3A_175, %jit3A_176 : i32
    %sign3A_178 = arith.constant 0 : i32
    %sign3A_179 = arith.cmpi sgt, %add3A_175, %sign3A_178 : i32
    %sign3A_180 = arith.extui %sign3A_179 : i1 to i32
    %sign3A_181 = arith.constant 0 : i32
    %sign3A_182 = arith.cmpi slt, %add3A_175, %sign3A_181 : i32
    %sign3A_183 = arith.extui %sign3A_182 : i1 to i32
    %sign3A_184 = arith.subi %sign3A_180, %sign3A_183 : i32
    %sign3A_185 = arith.constant 0 : i32
    %sign3A_186 = arith.cmpi sgt, %jit3A_176, %sign3A_185 : i32
    %sign3A_187 = arith.extui %sign3A_186 : i1 to i32
    %sign3A_188 = arith.constant 0 : i32
    %sign3A_189 = arith.cmpi slt, %jit3A_176, %sign3A_188 : i32
    %sign3A_190 = arith.extui %sign3A_189 : i1 to i32
    %sign3A_191 = arith.subi %sign3A_187, %sign3A_190 : i32
    %ne3A_192 = arith.cmpi ne, %sign3A_184, %sign3A_191 : i32
    %rem3A_193 = arith.remsi %add3A_175, %jit3A_176 : i32
    %ne3A_194 = arith.constant 0 : i32
    %ne3A_195 = arith.cmpi ne, %rem3A_193, %ne3A_194 : i32
    %and3A_196 = arith.andi %ne3A_192, %ne3A_195 : i1
    %sub3A_197 = arith.constant 1 : i32
    %sub3A_198 = arith.subi %div3A_177, %sub3A_197 : i32
    %select_n3A_199 = arith.select %and3A_196, %sub3A_198, %div3A_177 : i32
    %mul3A_200 = arith.constant 16 : i32
    %mul3A_201 = arith.muli %select_n3A_199, %mul3A_200 : i32
    %get3A_202 = arith.index_cast %mul3A_201 : i32 to index
    %get3A_203 = tpu.vector_load %arg8[%get3A_202] {strides = array<i32>} : memref<128xf32, #tpu.memory_space<vmem>>, vector<16xf32>,
    %iota3A_204 = tpu.iota {dimensions = array<i32: 0>} : vector<16xi32>
    %jit3A_205 = arith.constant 16 : i32
    %eq3A_206 = arith.constant 0 : i32
    %eq3A_207 = arith.cmpi eq, %jit3A_205, %eq3A_206 : i32
    %jit3A_208 = arith.constant 1 : i32
    %select_n3A_209 = arith.select %eq3A_207, %jit3A_208, %jit3A_205 : i32
    %rem3A_210 = arith.remsi %add3A_175, %select_n3A_209 : i32
    %ne3A_211 = arith.constant 0 : i32
    %ne3A_212 = arith.cmpi ne, %rem3A_210, %ne3A_211 : i32
    %lt3A_213 = arith.constant 0 : i32
    %lt3A_214 = arith.cmpi slt, %rem3A_210, %lt3A_213 : i32
    %lt3A_215 = arith.constant 0 : i32
    %lt3A_216 = arith.cmpi slt, %select_n3A_209, %lt3A_215 : i32
    %ne3A_217 = arith.xori %lt3A_214, %lt3A_216 : i1
    %and3A_218 = arith.andi %ne3A_217, %ne3A_212 : i1
    %add3A_219 = arith.addi %rem3A_210, %select_n3A_209 : i32
    %select_n3A_220 = arith.select %and3A_218, %add3A_219, %rem3A_210 : i32
    %eq3A_221 = vector.broadcast %select_n3A_220 : i32 to vector<16xi32>
    %eq3A_222 = arith.cmpi eq, %iota3A_204, %eq3A_221 : vector<16xi32>
    %jit3A_223 = arith.constant 0xFF800000 : f32
    %broadcast_in_dim3A_224 = vector.broadcast %jit3A_223 : f32 to vector<16xf32>
    %select_n3A_225 = arith.select %eq3A_222, %get3A_203, %broadcast_in_dim3A_224 : vector<16xi1>, vector<16xf32>
    %reduce_max3A_226 = arith.constant true
    %reduce_max3A_227 = vector.broadcast %reduce_max3A_226 : i1 to vector<16xi1>
    %reduce_max3A_228 = tpu.scan <max>, %select_n3A_225 masked %reduce_max3A_227 : vector<16xf32>, vector<16xi1> -> vector<16xf32>
    %reduce_max3A_229 = vector.extract %reduce_max3A_228[15] : f32 from vector<16xf32>
    %broadcast_in_dim3A_230 = vector.broadcast %reduce_max3A_229 : f32 to vector<16xf32>
    %broadcast_in_dim3A_231 = arith.constant 0xFF800000 : f32
    %broadcast_in_dim3A_232 = vector.broadcast %broadcast_in_dim3A_231 : f32 to vector<16xf32>
    %scan3A_233 = arith.constant 0 : i32
    %scan3A_234 = arith.constant 2048 : i32
    %scan3A_235 = arith.addi %scan3A_233, %scan3A_234 : i32
    %scan3A_236 = arith.constant 1 : i32
    %scan3A_237 = scf.for %scan3A_760 = %scan3A_233 to %scan3A_235 step %scan3A_236 iter_args(%scan3A_761 = %broadcast_in_dim3A_232) -> (vector<16xf32>)  : i32 {
      %mul3A_762 = arith.constant 16 : i32
      %mul3A_763 = arith.muli %scan3A_760, %mul3A_762 : i32
      %get3A_764 = arith.index_cast %mul3A_763 : i32 to index
      %get3A_765 = tpu.vector_load %arg5[%get3A_764] {strides = array<i32>} : memref<32768xf32, #tpu.memory_space<vmem>>, vector<16xf32>,
      %max3A_766 = arith.maximumf %scan3A_761, %get3A_765 : vector<16xf32>
      scf.yield %max3A_766 : vector<16xf32>
    }
    %scan3A_238 = arith.constant 2048 : i32
    %reduce_max3A_239 = arith.constant true
    %reduce_max3A_240 = vector.broadcast %reduce_max3A_239 : i1 to vector<16xi1>
    %reduce_max3A_241 = tpu.scan <max>, %scan3A_237 masked %reduce_max3A_240 : vector<16xf32>, vector<16xi1> -> vector<16xf32>
    %reduce_max3A_242 = vector.extract %reduce_max3A_241[15] : f32 from vector<16xf32>
    %broadcast_in_dim3A_243 = vector.broadcast %reduce_max3A_242 : f32 to vector<16xf32>
    %broadcast_in_dim3A_244 = arith.constant 0 : i32
    %broadcast_in_dim3A_245 = vector.broadcast %broadcast_in_dim3A_244 : i32 to vector<16xi32>
    %broadcast_in_dim3A_246 = arith.constant 0 : i32
    %broadcast_in_dim3A_247 = vector.broadcast %broadcast_in_dim3A_246 : i32 to vector<16xi32>
    %scan3A_248 = arith.constant 0 : i32
    %scan3A_249 = arith.constant 2048 : i32
    %scan3A_250 = arith.addi %scan3A_248, %scan3A_249 : i32
    %scan3A_251 = arith.constant 1 : i32
    %scan3A_252:2 = scf.for %scan3A_760 = %scan3A_248 to %scan3A_250 step %scan3A_251 iter_args(%scan3A_761 = %broadcast_in_dim3A_245, %scan3A_762 = %broadcast_in_dim3A_247) -> (vector<16xi32>, vector<16xi32>)  : i32 {
      %mul3A_763 = arith.constant 16 : i32
      %mul3A_764 = arith.muli %scan3A_760, %mul3A_763 : i32
      %get3A_765 = arith.index_cast %mul3A_764 : i32 to index
      %get3A_766 = tpu.vector_load %arg5[%get3A_765] {strides = array<i32>} : memref<32768xf32, #tpu.memory_space<vmem>>, vector<16xf32>,
      %sub3A_767 = arith.subf %get3A_766, %broadcast_in_dim3A_243 : vector<16xf32>
      %exp3A = math.exp %sub3A_767 : vector<16xf32>
      %eq3A_768 = arith.constant 0.000000e+00 : f32
      %eq3A_769 = vector.broadcast %eq3A_768 : f32 to vector<16xf32>
      %eq3A_770 = arith.cmpf oeq, %exp3A, %eq3A_769 : vector<16xf32>
      %all_reduce_population_count3A = tpu.all_reduce %eq3A_770 {dim = 0 : i64, kind = #tpu.reduction_kind<sum>} : vector<16xi1> -> vector<16xi32>
      %add3A_771 = arith.addi %scan3A_761, %all_reduce_population_count3A : vector<16xi32>
      %eq3A_772 = arith.constant 0.000000e+00 : f32
      %eq3A_773 = vector.broadcast %eq3A_772 : f32 to vector<16xf32>
      %eq3A_774 = arith.cmpf oeq, %sub3A_767, %eq3A_773 : vector<16xf32>
      %all_reduce_population_count3A_775 = tpu.all_reduce %eq3A_774 {dim = 0 : i64, kind = #tpu.reduction_kind<sum>} : vector<16xi1> -> vector<16xi32>
      %add3A_776 = arith.addi %scan3A_762, %all_reduce_population_count3A_775 : vector<16xi32>
      %convert_element_type3A_777 = arith.extui %eq3A_770 : vector<16xi1> to vector<16xi32>
      %convert_element_type3A_778 = arith.sitofp %convert_element_type3A_777 : vector<16xi32> to vector<16xf32>
      %sub3A_779 = arith.constant 1.000000e+00 : f32
      %sub3A_780 = vector.broadcast %sub3A_779 : f32 to vector<16xf32>
      %sub3A_781 = arith.subf %sub3A_780, %convert_element_type3A_778 : vector<16xf32>
      %mul3A_782 = arith.mulf %sub3A_767, %sub3A_781 : vector<16xf32>
      %bitcast_convert_type3A_783 = tpu.bitcast %mul3A_782 : vector<16xf32> -> vector<16xi32>
      %lt3A_784 = arith.constant 0 : i32
      %lt3A_785 = vector.broadcast %lt3A_784 : i32 to vector<16xi32>
      %lt3A_786 = arith.cmpi slt, %bitcast_convert_type3A_783, %lt3A_785 : vector<16xi32>
      %xor3A_787 = arith.constant 2147483647 : i32
      %xor3A_788 = vector.broadcast %xor3A_787 : i32 to vector<16xi32>
      %xor3A_789 = arith.xori %bitcast_convert_type3A_783, %xor3A_788 : vector<16xi32>
      %select_n3A_790 = arith.select %lt3A_786, %xor3A_789, %bitcast_convert_type3A_783 : vector<16xi1>, vector<16xi32>
      %mul3A_791 = arith.constant 16 : i32
      %mul3A_792 = arith.muli %scan3A_760, %mul3A_791 : i32
      %swap3A = arith.index_cast %mul3A_792 : i32 to index
      %swap3A_793 = tpu.vector_load %arg6[%swap3A] {strides = array<i32>} : memref<32768xi32, #tpu.memory_space<vmem>>, vector<16xi32>,
      tpu.vector_store %arg6[%swap3A], %select_n3A_790 {strides = array<i32>} : memref<32768xi32, #tpu.memory_space<vmem>>, vector<16xi32>,
      scf.yield %add3A_771, %add3A_776 : vector<16xi32>, vector<16xi32>
    }
    %scan3A_253 = arith.constant 2048 : i32
    %convert_element_type3A_254 = arith.sitofp %scan3A_252#0 : vector<16xi32> to vector<16xf32>
    %mul3A_255 = arith.constant 3.05175781E-5 : f32
    %mul3A_256 = vector.broadcast %mul3A_255 : f32 to vector<16xf32>
    %mul3A_257 = arith.mulf %convert_element_type3A_254, %mul3A_256 : vector<16xf32>
    %sub3A_258 = arith.subf %broadcast_in_dim3A_230, %mul3A_257 : vector<16xf32>
    %sub3A_259 = arith.constant 1.000000e+00 : f32
    %sub3A_260 = vector.broadcast %sub3A_259 : f32 to vector<16xf32>
    %sub3A_261 = arith.subf %sub3A_260, %mul3A_257 : vector<16xf32>
    %div3A_262 = arith.divf %sub3A_258, %sub3A_261 : vector<16xf32>
    %jit3A_263 = arith.constant 0.000000e+00 : f32
    %jit3A_264 = arith.constant 1.000000e+00 : f32
    %max3A_265 = vector.broadcast %jit3A_263 : f32 to vector<16xf32>
    %max3A_266 = arith.maximumf %max3A_265, %div3A_262 : vector<16xf32>
    %min3A_267 = vector.broadcast %jit3A_264 : f32 to vector<16xf32>
    %min3A_268 = arith.minimumf %min3A_267, %max3A_266 : vector<16xf32>
    %mul3A_269 = arith.constant 3.276700e+04 : f32
    %mul3A_270 = vector.broadcast %mul3A_269 : f32 to vector<16xf32>
    %mul3A_271 = arith.mulf %min3A_268, %mul3A_270 : vector<16xf32>
    %convert_element_type3A_272 = arith.fptosi %mul3A_271 : vector<16xf32> to vector<16xi32>
    %convert_element_type3A_273 = arith.sitofp %convert_element_type3A_272 : vector<16xi32> to vector<16xf32>
    %sub3A_274 = arith.subf %mul3A_271, %convert_element_type3A_273 : vector<16xf32>
    %broadcast_in_dim3A_275 = arith.constant 32768 : i32
    %broadcast_in_dim3A_276 = vector.broadcast %broadcast_in_dim3A_275 : i32 to vector<16xi32>
    %sub3A_277 = arith.subi %broadcast_in_dim3A_276, %scan3A_252#1 : vector<16xi32>
    %le3A_278 = arith.cmpi sle, %sub3A_277, %convert_element_type3A_272 : vector<16xi32>
    %broadcast_in_dim3A_279 = arith.constant 0 : i32
    %broadcast_in_dim3A_280 = vector.broadcast %broadcast_in_dim3A_279 : i32 to vector<16xi32>
    %broadcast_in_dim3A_281 = arith.constant -2147483648 : i32
    %broadcast_in_dim3A_282 = vector.broadcast %broadcast_in_dim3A_281 : i32 to vector<16xi32>
    %select_n3A_283 = arith.select %le3A_278, %broadcast_in_dim3A_280, %broadcast_in_dim3A_282 : vector<16xi1>, vector<16xi32>
    %scan3A_284 = arith.constant 0 : i32
    %scan3A_285 = arith.constant 19 : i32
    %scan3A_286 = arith.addi %scan3A_284, %scan3A_285 : i32
    %scan3A_287 = arith.constant 1 : i32
    %scan3A_288 = scf.for %scan3A_760 = %scan3A_284 to %scan3A_286 step %scan3A_287 iter_args(%scan3A_761 = %select_n3A_283) -> (vector<16xi32>)  : i32 {
      %sub3A_762 = arith.constant 30 : i32
      %sub3A_763 = arith.subi %sub3A_762, %scan3A_760 : i32
      %shift_left3A = arith.constant 1 : i32
      %shift_left3A_764 = arith.shli %shift_left3A, %sub3A_763 : i32
      %add3A_765 = vector.broadcast %shift_left3A_764 : i32 to vector<16xi32>
      %add3A_766 = arith.addi %scan3A_761, %add3A_765 : vector<16xi32>
      %broadcast_in_dim3A_767 = arith.constant 0 : i32
      %broadcast_in_dim3A_768 = vector.broadcast %broadcast_in_dim3A_767 : i32 to vector<16xi32>
      %scan3A_769 = arith.constant 0 : i32
      %scan3A_770 = arith.constant 2048 : i32
      %scan3A_771 = arith.addi %scan3A_769, %scan3A_770 : i32
      %scan3A_772 = arith.constant 1 : i32
      %scan3A_773 = scf.for %scan3A_777 = %scan3A_769 to %scan3A_771 step %scan3A_772 iter_args(%scan3A_778 = %broadcast_in_dim3A_768) -> (vector<16xi32>)  : i32 {
        %mul3A_779 = arith.constant 16 : i32
        %mul3A_780 = arith.muli %scan3A_777, %mul3A_779 : i32
        %get3A_781 = arith.index_cast %mul3A_780 : i32 to index
        %get3A_782 = tpu.vector_load %arg6[%get3A_781] {strides = array<i32>} : memref<32768xi32, #tpu.memory_space<vmem>>, vector<16xi32>,
        %lt3A_783 = arith.cmpi slt, %get3A_782, %add3A_766 : vector<16xi32>
        %all_reduce_population_count3A = tpu.all_reduce %lt3A_783 {dim = 0 : i64, kind = #tpu.reduction_kind<sum>} : vector<16xi1> -> vector<16xi32>
        %add3A_784 = arith.addi %scan3A_778, %all_reduce_population_count3A : vector<16xi32>
        scf.yield %add3A_784 : vector<16xi32>
      }
      %scan3A_774 = arith.constant 2048 : i32
      %le3A_775 = arith.cmpi sle, %scan3A_773, %convert_element_type3A_272 : vector<16xi32>
      %select_n3A_776 = arith.select %le3A_775, %add3A_766, %scan3A_761 : vector<16xi1>, vector<16xi32>
      scf.yield %select_n3A_776 : vector<16xi32>
    }
    %scan3A_289 = arith.constant 19 : i32
    %broadcast_in_dim3A_290 = arith.constant 0 : i32
    %broadcast_in_dim3A_291 = vector.broadcast %broadcast_in_dim3A_290 : i32 to vector<16xi32>
    %broadcast_in_dim3A_292 = arith.constant 2147483647 : i32
    %broadcast_in_dim3A_293 = vector.broadcast %broadcast_in_dim3A_292 : i32 to vector<16xi32>
    %scan3A_294 = arith.constant 0 : i32
    %scan3A_295 = arith.constant 2048 : i32
    %scan3A_296 = arith.addi %scan3A_294, %scan3A_295 : i32
    %scan3A_297 = arith.constant 1 : i32
    %scan3A_298:2 = scf.for %scan3A_760 = %scan3A_294 to %scan3A_296 step %scan3A_297 iter_args(%scan3A_761 = %broadcast_in_dim3A_291, %scan3A_762 = %broadcast_in_dim3A_293) -> (vector<16xi32>, vector<16xi32>)  : i32 {
      %mul3A_763 = arith.constant 16 : i32
      %mul3A_764 = arith.muli %scan3A_760, %mul3A_763 : i32
      %get3A_765 = arith.index_cast %mul3A_764 : i32 to index
      %get3A_766 = tpu.vector_load %arg6[%get3A_765] {strides = array<i32>} : memref<32768xi32, #tpu.memory_space<vmem>>, vector<16xi32>,
      %add3A_767 = arith.constant 4096 : i32
      %add3A_768 = vector.broadcast %add3A_767 : i32 to vector<16xi32>
      %add3A_769 = arith.addi %scan3A_288, %add3A_768 : vector<16xi32>
      %lt3A_770 = arith.cmpi slt, %get3A_766, %add3A_769 : vector<16xi32>
      %all_reduce_population_count3A = tpu.all_reduce %lt3A_770 {dim = 0 : i64, kind = #tpu.reduction_kind<sum>} : vector<16xi1> -> vector<16xi32>
      %add3A_771 = arith.addi %scan3A_761, %all_reduce_population_count3A : vector<16xi32>
      %jit3A_772 = arith.constant 2147483647 : i32
      %broadcast_in_dim3A_773 = vector.broadcast %jit3A_772 : i32 to vector<16xi32>
      %select_n3A_774 = arith.select %lt3A_770, %broadcast_in_dim3A_773, %get3A_766 : vector<16xi1>, vector<16xi32>
      %min3A_775 = arith.minsi %scan3A_762, %select_n3A_774 : vector<16xi32>
      scf.yield %add3A_771, %min3A_775 : vector<16xi32>, vector<16xi32>
    }
    %scan3A_299 = arith.constant 2048 : i32
    %reduce_min3A_300 = arith.constant true
    %reduce_min3A_301 = vector.broadcast %reduce_min3A_300 : i1 to vector<16xi1>
    %reduce_min3A_302 = arith.constant -2147483648 : i32
    %reduce_min3A_303 = vector.broadcast %reduce_min3A_302 : i32 to vector<16xi32>
    %reduce_min3A_304 = arith.xori %scan3A_298#1, %reduce_min3A_303 : vector<16xi32>
    %reduce_min3A_305 = tpu.scan <min>, %reduce_min3A_304 masked %reduce_min3A_301 : vector<16xi32>, vector<16xi1> -> vector<16xi32>
    %reduce_min3A_306 = arith.xori %reduce_min3A_305, %reduce_min3A_303 : vector<16xi32>
    %reduce_min3A_307 = vector.extract %reduce_min3A_306[15] : i32 from vector<16xi32>
    %broadcast_in_dim3A_308 = vector.broadcast %reduce_min3A_307 : i32 to vector<16xi32>
    %and3A_309 = arith.constant -4096 : i32
    %and3A_310 = vector.broadcast %and3A_309 : i32 to vector<16xi32>
    %and3A_311 = arith.andi %broadcast_in_dim3A_308, %and3A_310 : vector<16xi32>
    %lt3A_312 = arith.constant 0 : i32
    %lt3A_313 = vector.broadcast %lt3A_312 : i32 to vector<16xi32>
    %lt3A_314 = arith.cmpi slt, %scan3A_288, %lt3A_313 : vector<16xi32>
    %xor3A_315 = arith.constant 2147483647 : i32
    %xor3A_316 = vector.broadcast %xor3A_315 : i32 to vector<16xi32>
    %xor3A_317 = arith.xori %scan3A_288, %xor3A_316 : vector<16xi32>
    %select_n3A_318 = arith.select %lt3A_314, %xor3A_317, %scan3A_288 : vector<16xi1>, vector<16xi32>
    %bitcast_convert_type3A_319 = tpu.bitcast %select_n3A_318 : vector<16xi32> -> vector<16xf32>
    %add3A_320 = arith.constant 2 : i32
    %add3A_321 = vector.broadcast %add3A_320 : i32 to vector<16xi32>
    %add3A_322 = arith.addi %convert_element_type3A_272, %add3A_321 : vector<16xi32>
    %ge3A_323 = arith.cmpi sge, %scan3A_298#0, %add3A_322 : vector<16xi32>
    %select_n3A_324 = arith.select %ge3A_323, %scan3A_288, %and3A_311 : vector<16xi1>, vector<16xi32>
    %lt3A_325 = arith.constant 0 : i32
    %lt3A_326 = vector.broadcast %lt3A_325 : i32 to vector<16xi32>
    %lt3A_327 = arith.cmpi slt, %select_n3A_324, %lt3A_326 : vector<16xi32>
    %xor3A_328 = arith.constant 2147483647 : i32
    %xor3A_329 = vector.broadcast %xor3A_328 : i32 to vector<16xi32>
    %xor3A_330 = arith.xori %select_n3A_324, %xor3A_329 : vector<16xi32>
    %select_n3A_331 = arith.select %lt3A_327, %xor3A_330, %select_n3A_324 : vector<16xi1>, vector<16xi32>
    %bitcast_convert_type3A_332 = tpu.bitcast %select_n3A_331 : vector<16xi32> -> vector<16xf32>
    %gt3A_333 = arith.constant 0.000000e+00 : f32
    %gt3A_334 = vector.broadcast %gt3A_333 : f32 to vector<16xf32>
    %gt3A_335 = arith.cmpf ogt, %sub3A_274, %gt3A_334 : vector<16xf32>
    %select_n3A_336 = arith.select %gt3A_335, %bitcast_convert_type3A_332, %bitcast_convert_type3A_319 : vector<16xi1>, vector<16xf32>
    %sub3A_337 = arith.constant 1.000000e+00 : f32
    %sub3A_338 = vector.broadcast %sub3A_337 : f32 to vector<16xf32>
    %sub3A_339 = arith.subf %sub3A_338, %sub3A_274 : vector<16xf32>
    %mul3A_340 = arith.mulf %bitcast_convert_type3A_319, %sub3A_339 : vector<16xf32>
    %mul3A_341 = arith.mulf %select_n3A_336, %sub3A_274 : vector<16xf32>
    %add3A_342 = arith.addf %mul3A_340, %mul3A_341 : vector<16xf32>
    %sub3A_343 = arith.constant 9.99999993E-9 : f32
    %sub3A_344 = vector.broadcast %sub3A_343 : f32 to vector<16xf32>
    %sub3A_345 = arith.subf %sub3A_344, %add3A_342 : vector<16xf32>
    %broadcast_in_dim3A_346 = arith.constant 0.000000e+00 : f32
    %broadcast_in_dim3A_347 = vector.broadcast %broadcast_in_dim3A_346 : f32 to vector<16xf32>
    %scan3A_348 = arith.constant 0 : i32
    %scan3A_349 = arith.constant 2048 : i32
    %scan3A_350 = arith.addi %scan3A_348, %scan3A_349 : i32
    %scan3A_351 = arith.constant 1 : i32
    %scan3A_352 = scf.for %scan3A_760 = %scan3A_348 to %scan3A_350 step %scan3A_351 iter_args(%scan3A_761 = %broadcast_in_dim3A_347) -> (vector<16xf32>)  : i32 {
      %mul3A_762 = arith.constant 16 : i32
      %mul3A_763 = arith.muli %scan3A_760, %mul3A_762 : i32
      %get3A_764 = arith.index_cast %mul3A_763 : i32 to index
      %get3A_765 = tpu.vector_load %arg5[%get3A_764] {strides = array<i32>} : memref<32768xf32, #tpu.memory_space<vmem>>, vector<16xf32>,
      %sub3A_766 = arith.subf %get3A_765, %broadcast_in_dim3A_243 : vector<16xf32>
      %exp3A = math.exp %sub3A_766 : vector<16xf32>
      %add3A_767 = arith.addf %sub3A_766, %sub3A_345 : vector<16xf32>
      %max3A_768 = arith.constant 0.000000e+00 : f32
      %max3A_769 = vector.broadcast %max3A_768 : f32 to vector<16xf32>
      %max3A_770 = arith.maximumf %add3A_767, %max3A_769 : vector<16xf32>
      %mul3A_771 = arith.mulf %exp3A, %max3A_770 : vector<16xf32>
      %mul3A_772 = arith.constant 16 : i32
      %mul3A_773 = arith.muli %scan3A_760, %mul3A_772 : i32
      %swap3A = arith.index_cast %mul3A_773 : i32 to index
      %swap3A_774 = tpu.vector_load %arg7[%swap3A] {strides = array<i32>} : memref<32768xf32, #tpu.memory_space<vmem>>, vector<16xf32>,
      tpu.vector_store %arg7[%swap3A], %mul3A_771 {strides = array<i32>} : memref<32768xf32, #tpu.memory_space<vmem>>, vector<16xf32>,
      %add3A_775 = arith.addf %scan3A_761, %mul3A_771 : vector<16xf32>
      scf.yield %add3A_775 : vector<16xf32>
    }
    %scan3A_353 = arith.constant 2048 : i32
    %broadcast_in_dim3A_354 = arith.constant 1.000000e+00 : f32
    %broadcast_in_dim3A_355 = vector.broadcast %broadcast_in_dim3A_354 : f32 to vector<16xf32>
    %reduce_sum3A_356 = arith.constant true
    %reduce_sum3A_357 = vector.broadcast %reduce_sum3A_356 : i1 to vector<16xi1>
    %reduce_sum3A_358 = tpu.scan <sum>, %scan3A_352 masked %reduce_sum3A_357 : vector<16xf32>, vector<16xi1> -> vector<16xf32>
    %reduce_sum3A_359 = vector.extract %reduce_sum3A_358[15] : f32 from vector<16xf32>
    %broadcast_in_dim3A_360 = vector.broadcast %reduce_sum3A_359 : f32 to vector<16xf32>
    %div3A_361 = arith.divf %broadcast_in_dim3A_355, %broadcast_in_dim3A_360 : vector<16xf32>
    %scan3A_362 = arith.constant 0 : i32
    %scan3A_363 = arith.constant 0 : i32
    %scan3A_364 = arith.constant 2048 : i32
    %scan3A_365 = arith.addi %scan3A_363, %scan3A_364 : i32
    %scan3A_366 = arith.constant 1 : i32
    scf.for %scan3A_760 = %scan3A_363 to %scan3A_365 step %scan3A_366  : i32 {
      %mul3A_761 = arith.constant 16 : i32
      %mul3A_762 = arith.muli %scan3A_760, %mul3A_761 : i32
      %get3A_763 = arith.index_cast %mul3A_762 : i32 to index
      %get3A_764 = tpu.vector_load %arg7[%get3A_763] {strides = array<i32>} : memref<32768xf32, #tpu.memory_space<vmem>>, vector<16xf32>,
      %mul3A_765 = arith.mulf %get3A_764, %div3A_361 : vector<16xf32>
      %mul3A_766 = arith.constant 16 : i32
      %mul3A_767 = arith.muli %scan3A_760, %mul3A_766 : i32
      %swap3A = arith.index_cast %mul3A_767 : i32 to index
      %swap3A_768 = tpu.vector_load %arg7[%swap3A] {strides = array<i32>} : memref<32768xf32, #tpu.memory_space<vmem>>, vector<16xf32>,
      tpu.vector_store %arg7[%swap3A], %mul3A_765 {strides = array<i32>} : memref<32768xf32, #tpu.memory_space<vmem>>, vector<16xf32>,
    }
    %scan3A_367 = arith.constant 2048 : i32
    "tpu.region"() ({
      %run_scoped3A = tpu.sem_alloc : memref<!tpu.dma_semaphore, #tpu.memory_space<semaphore_mem>>
      %dma_start3A = arith.constant 0 : i32
      %dma_start3A_760 = tpu.memref_slice %arg4[%add3A_175, %dma_start3A] : memref<128x32768xf32, #tpu.memory_space<hbm>> -> memref<1x32768xf32, #tpu.memory_space<hbm>>
      %dma_start3A_761 = tpu.memref_squeeze %dma_start3A_760 : memref<1x32768xf32, #tpu.memory_space<hbm>> -> memref<32768xf32, #tpu.memory_space<hbm>>
      %dma_start3A_762 = arith.constant 0 : i32
      %dma_start3A_763 = tpu.memref_slice %arg4[%add3A_175, %dma_start3A_762] : memref<128x32768xf32, #tpu.memory_space<hbm>> -> memref<1x32768xf32, #tpu.memory_space<hbm>>
      %dma_start3A_764 = tpu.memref_squeeze %dma_start3A_763 : memref<1x32768xf32, #tpu.memory_space<hbm>> -> memref<32768xf32, #tpu.memory_space<hbm>>
      tpu.enqueue_dma source(%arg7 : memref<32768xf32, #tpu.memory_space<vmem>>) target(%dma_start3A_764 : memref<32768xf32, #tpu.memory_space<hbm>>) target_semaphore(%run_scoped3A : memref<!tpu.dma_semaphore, #tpu.memory_space<semaphore_mem>>)
      %dma_wait3A = arith.constant 0 : i32
      %dma_wait3A_765 = tpu.memref_slice %arg4[%add3A_175, %dma_wait3A] : memref<128x32768xf32, #tpu.memory_space<hbm>> -> memref<1x32768xf32, #tpu.memory_space<hbm>>
      %dma_wait3A_766 = tpu.memref_squeeze %dma_wait3A_765 : memref<1x32768xf32, #tpu.memory_space<hbm>> -> memref<32768xf32, #tpu.memory_space<hbm>>
      %dma_wait3A_767 = arith.constant 0 : i32
      %dma_wait3A_768 = tpu.memref_slice %arg4[%add3A_175, %dma_wait3A_767] : memref<128x32768xf32, #tpu.memory_space<hbm>> -> memref<1x32768xf32, #tpu.memory_space<hbm>>
      %dma_wait3A_769 = tpu.memref_squeeze %dma_wait3A_768 : memref<1x32768xf32, #tpu.memory_space<hbm>> -> memref<32768xf32, #tpu.memory_space<hbm>>
      tpu.wait_dma2 semaphore(%run_scoped3A : memref<!tpu.dma_semaphore, #tpu.memory_space<semaphore_mem>>) src(%arg7 : memref<32768xf32, #tpu.memory_space<vmem>>) dst(%dma_wait3A_769 : memref<32768xf32, #tpu.memory_space<hbm>>)
      tpu.yield
    }) : () -> ()
    %mul3A_368 = arith.constant 4 : i32
    %mul3A_369 = arith.muli %add3A, %mul3A_368 : i32
    %add3A_370 = arith.constant 2 : i32
    %add3A_371 = arith.addi %mul3A_369, %add3A_370 : i32
    "tpu.region"() ({
      %run_scoped3A = tpu.sem_alloc : memref<!tpu.dma_semaphore, #tpu.memory_space<semaphore_mem>>
      %dma_start3A = arith.constant 0 : i32
      %dma_start3A_760 = tpu.memref_slice %arg2[%add3A_371, %dma_start3A] : memref<128x32768xf32, #tpu.memory_space<hbm>> -> memref<1x32768xf32, #tpu.memory_space<hbm>>
      %dma_start3A_761 = tpu.memref_squeeze %dma_start3A_760 : memref<1x32768xf32, #tpu.memory_space<hbm>> -> memref<32768xf32, #tpu.memory_space<hbm>>
      %dma_start3A_762 = arith.constant 0 : i32
      %dma_start3A_763 = tpu.memref_slice %arg2[%add3A_371, %dma_start3A_762] : memref<128x32768xf32, #tpu.memory_space<hbm>> -> memref<1x32768xf32, #tpu.memory_space<hbm>>
      %dma_start3A_764 = tpu.memref_squeeze %dma_start3A_763 : memref<1x32768xf32, #tpu.memory_space<hbm>> -> memref<32768xf32, #tpu.memory_space<hbm>>
      tpu.enqueue_dma source(%dma_start3A_764 : memref<32768xf32, #tpu.memory_space<hbm>>) target(%arg5 : memref<32768xf32, #tpu.memory_space<vmem>>) target_semaphore(%run_scoped3A : memref<!tpu.dma_semaphore, #tpu.memory_space<semaphore_mem>>)
      %dma_wait3A = arith.constant 0 : i32
      %dma_wait3A_765 = tpu.memref_slice %arg2[%add3A_371, %dma_wait3A] : memref<128x32768xf32, #tpu.memory_space<hbm>> -> memref<1x32768xf32, #tpu.memory_space<hbm>>
      %dma_wait3A_766 = tpu.memref_squeeze %dma_wait3A_765 : memref<1x32768xf32, #tpu.memory_space<hbm>> -> memref<32768xf32, #tpu.memory_space<hbm>>
      %dma_wait3A_767 = arith.constant 0 : i32
      %dma_wait3A_768 = tpu.memref_slice %arg2[%add3A_371, %dma_wait3A_767] : memref<128x32768xf32, #tpu.memory_space<hbm>> -> memref<1x32768xf32, #tpu.memory_space<hbm>>
      %dma_wait3A_769 = tpu.memref_squeeze %dma_wait3A_768 : memref<1x32768xf32, #tpu.memory_space<hbm>> -> memref<32768xf32, #tpu.memory_space<hbm>>
      tpu.wait_dma2 semaphore(%run_scoped3A : memref<!tpu.dma_semaphore, #tpu.memory_space<semaphore_mem>>) src(%dma_wait3A_769 : memref<32768xf32, #tpu.memory_space<hbm>>) dst(%arg5 : memref<32768xf32, #tpu.memory_space<vmem>>)
      tpu.yield
    }) : () -> ()
    %jit3A_372 = arith.constant 16 : i32
    %div3A_373 = arith.divsi %add3A_371, %jit3A_372 : i32
    %sign3A_374 = arith.constant 0 : i32
    %sign3A_375 = arith.cmpi sgt, %add3A_371, %sign3A_374 : i32
    %sign3A_376 = arith.extui %sign3A_375 : i1 to i32
    %sign3A_377 = arith.constant 0 : i32
    %sign3A_378 = arith.cmpi slt, %add3A_371, %sign3A_377 : i32
    %sign3A_379 = arith.extui %sign3A_378 : i1 to i32
    %sign3A_380 = arith.subi %sign3A_376, %sign3A_379 : i32
    %sign3A_381 = arith.constant 0 : i32
    %sign3A_382 = arith.cmpi sgt, %jit3A_372, %sign3A_381 : i32
    %sign3A_383 = arith.extui %sign3A_382 : i1 to i32
    %sign3A_384 = arith.constant 0 : i32
    %sign3A_385 = arith.cmpi slt, %jit3A_372, %sign3A_384 : i32
    %sign3A_386 = arith.extui %sign3A_385 : i1 to i32
    %sign3A_387 = arith.subi %sign3A_383, %sign3A_386 : i32
    %ne3A_388 = arith.cmpi ne, %sign3A_380, %sign3A_387 : i32
    %rem3A_389 = arith.remsi %add3A_371, %jit3A_372 : i32
    %ne3A_390 = arith.constant 0 : i32
    %ne3A_391 = arith.cmpi ne, %rem3A_389, %ne3A_390 : i32
    %and3A_392 = arith.andi %ne3A_388, %ne3A_391 : i1
    %sub3A_393 = arith.constant 1 : i32
    %sub3A_394 = arith.subi %div3A_373, %sub3A_393 : i32
    %select_n3A_395 = arith.select %and3A_392, %sub3A_394, %div3A_373 : i32
    %mul3A_396 = arith.constant 16 : i32
    %mul3A_397 = arith.muli %select_n3A_395, %mul3A_396 : i32
    %get3A_398 = arith.index_cast %mul3A_397 : i32 to index
    %get3A_399 = tpu.vector_load %arg8[%get3A_398] {strides = array<i32>} : memref<128xf32, #tpu.memory_space<vmem>>, vector<16xf32>,
    %iota3A_400 = tpu.iota {dimensions = array<i32: 0>} : vector<16xi32>
    %jit3A_401 = arith.constant 16 : i32
    %eq3A_402 = arith.constant 0 : i32
    %eq3A_403 = arith.cmpi eq, %jit3A_401, %eq3A_402 : i32
    %jit3A_404 = arith.constant 1 : i32
    %select_n3A_405 = arith.select %eq3A_403, %jit3A_404, %jit3A_401 : i32
    %rem3A_406 = arith.remsi %add3A_371, %select_n3A_405 : i32
    %ne3A_407 = arith.constant 0 : i32
    %ne3A_408 = arith.cmpi ne, %rem3A_406, %ne3A_407 : i32
    %lt3A_409 = arith.constant 0 : i32
    %lt3A_410 = arith.cmpi slt, %rem3A_406, %lt3A_409 : i32
    %lt3A_411 = arith.constant 0 : i32
    %lt3A_412 = arith.cmpi slt, %select_n3A_405, %lt3A_411 : i32
    %ne3A_413 = arith.xori %lt3A_410, %lt3A_412 : i1
    %and3A_414 = arith.andi %ne3A_413, %ne3A_408 : i1
    %add3A_415 = arith.addi %rem3A_406, %select_n3A_405 : i32
    %select_n3A_416 = arith.select %and3A_414, %add3A_415, %rem3A_406 : i32
    %eq3A_417 = vector.broadcast %select_n3A_416 : i32 to vector<16xi32>
    %eq3A_418 = arith.cmpi eq, %iota3A_400, %eq3A_417 : vector<16xi32>
    %jit3A_419 = arith.constant 0xFF800000 : f32
    %broadcast_in_dim3A_420 = vector.broadcast %jit3A_419 : f32 to vector<16xf32>
    %select_n3A_421 = arith.select %eq3A_418, %get3A_399, %broadcast_in_dim3A_420 : vector<16xi1>, vector<16xf32>
    %reduce_max3A_422 = arith.constant true
    %reduce_max3A_423 = vector.broadcast %reduce_max3A_422 : i1 to vector<16xi1>
    %reduce_max3A_424 = tpu.scan <max>, %select_n3A_421 masked %reduce_max3A_423 : vector<16xf32>, vector<16xi1> -> vector<16xf32>
    %reduce_max3A_425 = vector.extract %reduce_max3A_424[15] : f32 from vector<16xf32>
    %broadcast_in_dim3A_426 = vector.broadcast %reduce_max3A_425 : f32 to vector<16xf32>
    %broadcast_in_dim3A_427 = arith.constant 0xFF800000 : f32
    %broadcast_in_dim3A_428 = vector.broadcast %broadcast_in_dim3A_427 : f32 to vector<16xf32>
    %scan3A_429 = arith.constant 0 : i32
    %scan3A_430 = arith.constant 2048 : i32
    %scan3A_431 = arith.addi %scan3A_429, %scan3A_430 : i32
    %scan3A_432 = arith.constant 1 : i32
    %scan3A_433 = scf.for %scan3A_760 = %scan3A_429 to %scan3A_431 step %scan3A_432 iter_args(%scan3A_761 = %broadcast_in_dim3A_428) -> (vector<16xf32>)  : i32 {
      %mul3A_762 = arith.constant 16 : i32
      %mul3A_763 = arith.muli %scan3A_760, %mul3A_762 : i32
      %get3A_764 = arith.index_cast %mul3A_763 : i32 to index
      %get3A_765 = tpu.vector_load %arg5[%get3A_764] {strides = array<i32>} : memref<32768xf32, #tpu.memory_space<vmem>>, vector<16xf32>,
      %max3A_766 = arith.maximumf %scan3A_761, %get3A_765 : vector<16xf32>
      scf.yield %max3A_766 : vector<16xf32>
    }
    %scan3A_434 = arith.constant 2048 : i32
    %reduce_max3A_435 = arith.constant true
    %reduce_max3A_436 = vector.broadcast %reduce_max3A_435 : i1 to vector<16xi1>
    %reduce_max3A_437 = tpu.scan <max>, %scan3A_433 masked %reduce_max3A_436 : vector<16xf32>, vector<16xi1> -> vector<16xf32>
    %reduce_max3A_438 = vector.extract %reduce_max3A_437[15] : f32 from vector<16xf32>
    %broadcast_in_dim3A_439 = vector.broadcast %reduce_max3A_438 : f32 to vector<16xf32>
    %broadcast_in_dim3A_440 = arith.constant 0 : i32
    %broadcast_in_dim3A_441 = vector.broadcast %broadcast_in_dim3A_440 : i32 to vector<16xi32>
    %broadcast_in_dim3A_442 = arith.constant 0 : i32
    %broadcast_in_dim3A_443 = vector.broadcast %broadcast_in_dim3A_442 : i32 to vector<16xi32>
    %scan3A_444 = arith.constant 0 : i32
    %scan3A_445 = arith.constant 2048 : i32
    %scan3A_446 = arith.addi %scan3A_444, %scan3A_445 : i32
    %scan3A_447 = arith.constant 1 : i32
    %scan3A_448:2 = scf.for %scan3A_760 = %scan3A_444 to %scan3A_446 step %scan3A_447 iter_args(%scan3A_761 = %broadcast_in_dim3A_441, %scan3A_762 = %broadcast_in_dim3A_443) -> (vector<16xi32>, vector<16xi32>)  : i32 {
      %mul3A_763 = arith.constant 16 : i32
      %mul3A_764 = arith.muli %scan3A_760, %mul3A_763 : i32
      %get3A_765 = arith.index_cast %mul3A_764 : i32 to index
      %get3A_766 = tpu.vector_load %arg5[%get3A_765] {strides = array<i32>} : memref<32768xf32, #tpu.memory_space<vmem>>, vector<16xf32>,
      %sub3A_767 = arith.subf %get3A_766, %broadcast_in_dim3A_439 : vector<16xf32>
      %exp3A = math.exp %sub3A_767 : vector<16xf32>
      %eq3A_768 = arith.constant 0.000000e+00 : f32
      %eq3A_769 = vector.broadcast %eq3A_768 : f32 to vector<16xf32>
      %eq3A_770 = arith.cmpf oeq, %exp3A, %eq3A_769 : vector<16xf32>
      %all_reduce_population_count3A = tpu.all_reduce %eq3A_770 {dim = 0 : i64, kind = #tpu.reduction_kind<sum>} : vector<16xi1> -> vector<16xi32>
      %add3A_771 = arith.addi %scan3A_761, %all_reduce_population_count3A : vector<16xi32>
      %eq3A_772 = arith.constant 0.000000e+00 : f32
      %eq3A_773 = vector.broadcast %eq3A_772 : f32 to vector<16xf32>
      %eq3A_774 = arith.cmpf oeq, %sub3A_767, %eq3A_773 : vector<16xf32>
      %all_reduce_population_count3A_775 = tpu.all_reduce %eq3A_774 {dim = 0 : i64, kind = #tpu.reduction_kind<sum>} : vector<16xi1> -> vector<16xi32>
      %add3A_776 = arith.addi %scan3A_762, %all_reduce_population_count3A_775 : vector<16xi32>
      %convert_element_type3A_777 = arith.extui %eq3A_770 : vector<16xi1> to vector<16xi32>
      %convert_element_type3A_778 = arith.sitofp %convert_element_type3A_777 : vector<16xi32> to vector<16xf32>
      %sub3A_779 = arith.constant 1.000000e+00 : f32
      %sub3A_780 = vector.broadcast %sub3A_779 : f32 to vector<16xf32>
      %sub3A_781 = arith.subf %sub3A_780, %convert_element_type3A_778 : vector<16xf32>
      %mul3A_782 = arith.mulf %sub3A_767, %sub3A_781 : vector<16xf32>
      %bitcast_convert_type3A_783 = tpu.bitcast %mul3A_782 : vector<16xf32> -> vector<16xi32>
      %lt3A_784 = arith.constant 0 : i32
      %lt3A_785 = vector.broadcast %lt3A_784 : i32 to vector<16xi32>
      %lt3A_786 = arith.cmpi slt, %bitcast_convert_type3A_783, %lt3A_785 : vector<16xi32>
      %xor3A_787 = arith.constant 2147483647 : i32
      %xor3A_788 = vector.broadcast %xor3A_787 : i32 to vector<16xi32>
      %xor3A_789 = arith.xori %bitcast_convert_type3A_783, %xor3A_788 : vector<16xi32>
      %select_n3A_790 = arith.select %lt3A_786, %xor3A_789, %bitcast_convert_type3A_783 : vector<16xi1>, vector<16xi32>
      %mul3A_791 = arith.constant 16 : i32
      %mul3A_792 = arith.muli %scan3A_760, %mul3A_791 : i32
      %swap3A = arith.index_cast %mul3A_792 : i32 to index
      %swap3A_793 = tpu.vector_load %arg6[%swap3A] {strides = array<i32>} : memref<32768xi32, #tpu.memory_space<vmem>>, vector<16xi32>,
      tpu.vector_store %arg6[%swap3A], %select_n3A_790 {strides = array<i32>} : memref<32768xi32, #tpu.memory_space<vmem>>, vector<16xi32>,
      scf.yield %add3A_771, %add3A_776 : vector<16xi32>, vector<16xi32>
    }
    %scan3A_449 = arith.constant 2048 : i32
    %convert_element_type3A_450 = arith.sitofp %scan3A_448#0 : vector<16xi32> to vector<16xf32>
    %mul3A_451 = arith.constant 3.05175781E-5 : f32
    %mul3A_452 = vector.broadcast %mul3A_451 : f32 to vector<16xf32>
    %mul3A_453 = arith.mulf %convert_element_type3A_450, %mul3A_452 : vector<16xf32>
    %sub3A_454 = arith.subf %broadcast_in_dim3A_426, %mul3A_453 : vector<16xf32>
    %sub3A_455 = arith.constant 1.000000e+00 : f32
    %sub3A_456 = vector.broadcast %sub3A_455 : f32 to vector<16xf32>
    %sub3A_457 = arith.subf %sub3A_456, %mul3A_453 : vector<16xf32>
    %div3A_458 = arith.divf %sub3A_454, %sub3A_457 : vector<16xf32>
    %jit3A_459 = arith.constant 0.000000e+00 : f32
    %jit3A_460 = arith.constant 1.000000e+00 : f32
    %max3A_461 = vector.broadcast %jit3A_459 : f32 to vector<16xf32>
    %max3A_462 = arith.maximumf %max3A_461, %div3A_458 : vector<16xf32>
    %min3A_463 = vector.broadcast %jit3A_460 : f32 to vector<16xf32>
    %min3A_464 = arith.minimumf %min3A_463, %max3A_462 : vector<16xf32>
    %mul3A_465 = arith.constant 3.276700e+04 : f32
    %mul3A_466 = vector.broadcast %mul3A_465 : f32 to vector<16xf32>
    %mul3A_467 = arith.mulf %min3A_464, %mul3A_466 : vector<16xf32>
    %convert_element_type3A_468 = arith.fptosi %mul3A_467 : vector<16xf32> to vector<16xi32>
    %convert_element_type3A_469 = arith.sitofp %convert_element_type3A_468 : vector<16xi32> to vector<16xf32>
    %sub3A_470 = arith.subf %mul3A_467, %convert_element_type3A_469 : vector<16xf32>
    %broadcast_in_dim3A_471 = arith.constant 32768 : i32
    %broadcast_in_dim3A_472 = vector.broadcast %broadcast_in_dim3A_471 : i32 to vector<16xi32>
    %sub3A_473 = arith.subi %broadcast_in_dim3A_472, %scan3A_448#1 : vector<16xi32>
    %le3A_474 = arith.cmpi sle, %sub3A_473, %convert_element_type3A_468 : vector<16xi32>
    %broadcast_in_dim3A_475 = arith.constant 0 : i32
    %broadcast_in_dim3A_476 = vector.broadcast %broadcast_in_dim3A_475 : i32 to vector<16xi32>
    %broadcast_in_dim3A_477 = arith.constant -2147483648 : i32
    %broadcast_in_dim3A_478 = vector.broadcast %broadcast_in_dim3A_477 : i32 to vector<16xi32>
    %select_n3A_479 = arith.select %le3A_474, %broadcast_in_dim3A_476, %broadcast_in_dim3A_478 : vector<16xi1>, vector<16xi32>
    %scan3A_480 = arith.constant 0 : i32
    %scan3A_481 = arith.constant 19 : i32
    %scan3A_482 = arith.addi %scan3A_480, %scan3A_481 : i32
    %scan3A_483 = arith.constant 1 : i32
    %scan3A_484 = scf.for %scan3A_760 = %scan3A_480 to %scan3A_482 step %scan3A_483 iter_args(%scan3A_761 = %select_n3A_479) -> (vector<16xi32>)  : i32 {
      %sub3A_762 = arith.constant 30 : i32
      %sub3A_763 = arith.subi %sub3A_762, %scan3A_760 : i32
      %shift_left3A = arith.constant 1 : i32
      %shift_left3A_764 = arith.shli %shift_left3A, %sub3A_763 : i32
      %add3A_765 = vector.broadcast %shift_left3A_764 : i32 to vector<16xi32>
      %add3A_766 = arith.addi %scan3A_761, %add3A_765 : vector<16xi32>
      %broadcast_in_dim3A_767 = arith.constant 0 : i32
      %broadcast_in_dim3A_768 = vector.broadcast %broadcast_in_dim3A_767 : i32 to vector<16xi32>
      %scan3A_769 = arith.constant 0 : i32
      %scan3A_770 = arith.constant 2048 : i32
      %scan3A_771 = arith.addi %scan3A_769, %scan3A_770 : i32
      %scan3A_772 = arith.constant 1 : i32
      %scan3A_773 = scf.for %scan3A_777 = %scan3A_769 to %scan3A_771 step %scan3A_772 iter_args(%scan3A_778 = %broadcast_in_dim3A_768) -> (vector<16xi32>)  : i32 {
        %mul3A_779 = arith.constant 16 : i32
        %mul3A_780 = arith.muli %scan3A_777, %mul3A_779 : i32
        %get3A_781 = arith.index_cast %mul3A_780 : i32 to index
        %get3A_782 = tpu.vector_load %arg6[%get3A_781] {strides = array<i32>} : memref<32768xi32, #tpu.memory_space<vmem>>, vector<16xi32>,
        %lt3A_783 = arith.cmpi slt, %get3A_782, %add3A_766 : vector<16xi32>
        %all_reduce_population_count3A = tpu.all_reduce %lt3A_783 {dim = 0 : i64, kind = #tpu.reduction_kind<sum>} : vector<16xi1> -> vector<16xi32>
        %add3A_784 = arith.addi %scan3A_778, %all_reduce_population_count3A : vector<16xi32>
        scf.yield %add3A_784 : vector<16xi32>
      }
      %scan3A_774 = arith.constant 2048 : i32
      %le3A_775 = arith.cmpi sle, %scan3A_773, %convert_element_type3A_468 : vector<16xi32>
      %select_n3A_776 = arith.select %le3A_775, %add3A_766, %scan3A_761 : vector<16xi1>, vector<16xi32>
      scf.yield %select_n3A_776 : vector<16xi32>
    }
    %scan3A_485 = arith.constant 19 : i32
    %broadcast_in_dim3A_486 = arith.constant 0 : i32
    %broadcast_in_dim3A_487 = vector.broadcast %broadcast_in_dim3A_486 : i32 to vector<16xi32>
    %broadcast_in_dim3A_488 = arith.constant 2147483647 : i32
    %broadcast_in_dim3A_489 = vector.broadcast %broadcast_in_dim3A_488 : i32 to vector<16xi32>
    %scan3A_490 = arith.constant 0 : i32
    %scan3A_491 = arith.constant 2048 : i32
    %scan3A_492 = arith.addi %scan3A_490, %scan3A_491 : i32
    %scan3A_493 = arith.constant 1 : i32
    %scan3A_494:2 = scf.for %scan3A_760 = %scan3A_490 to %scan3A_492 step %scan3A_493 iter_args(%scan3A_761 = %broadcast_in_dim3A_487, %scan3A_762 = %broadcast_in_dim3A_489) -> (vector<16xi32>, vector<16xi32>)  : i32 {
      %mul3A_763 = arith.constant 16 : i32
      %mul3A_764 = arith.muli %scan3A_760, %mul3A_763 : i32
      %get3A_765 = arith.index_cast %mul3A_764 : i32 to index
      %get3A_766 = tpu.vector_load %arg6[%get3A_765] {strides = array<i32>} : memref<32768xi32, #tpu.memory_space<vmem>>, vector<16xi32>,
      %add3A_767 = arith.constant 4096 : i32
      %add3A_768 = vector.broadcast %add3A_767 : i32 to vector<16xi32>
      %add3A_769 = arith.addi %scan3A_484, %add3A_768 : vector<16xi32>
      %lt3A_770 = arith.cmpi slt, %get3A_766, %add3A_769 : vector<16xi32>
      %all_reduce_population_count3A = tpu.all_reduce %lt3A_770 {dim = 0 : i64, kind = #tpu.reduction_kind<sum>} : vector<16xi1> -> vector<16xi32>
      %add3A_771 = arith.addi %scan3A_761, %all_reduce_population_count3A : vector<16xi32>
      %jit3A_772 = arith.constant 2147483647 : i32
      %broadcast_in_dim3A_773 = vector.broadcast %jit3A_772 : i32 to vector<16xi32>
      %select_n3A_774 = arith.select %lt3A_770, %broadcast_in_dim3A_773, %get3A_766 : vector<16xi1>, vector<16xi32>
      %min3A_775 = arith.minsi %scan3A_762, %select_n3A_774 : vector<16xi32>
      scf.yield %add3A_771, %min3A_775 : vector<16xi32>, vector<16xi32>
    }
    %scan3A_495 = arith.constant 2048 : i32
    %reduce_min3A_496 = arith.constant true
    %reduce_min3A_497 = vector.broadcast %reduce_min3A_496 : i1 to vector<16xi1>
    %reduce_min3A_498 = arith.constant -2147483648 : i32
    %reduce_min3A_499 = vector.broadcast %reduce_min3A_498 : i32 to vector<16xi32>
    %reduce_min3A_500 = arith.xori %scan3A_494#1, %reduce_min3A_499 : vector<16xi32>
    %reduce_min3A_501 = tpu.scan <min>, %reduce_min3A_500 masked %reduce_min3A_497 : vector<16xi32>, vector<16xi1> -> vector<16xi32>
    %reduce_min3A_502 = arith.xori %reduce_min3A_501, %reduce_min3A_499 : vector<16xi32>
    %reduce_min3A_503 = vector.extract %reduce_min3A_502[15] : i32 from vector<16xi32>
    %broadcast_in_dim3A_504 = vector.broadcast %reduce_min3A_503 : i32 to vector<16xi32>
    %and3A_505 = arith.constant -4096 : i32
    %and3A_506 = vector.broadcast %and3A_505 : i32 to vector<16xi32>
    %and3A_507 = arith.andi %broadcast_in_dim3A_504, %and3A_506 : vector<16xi32>
    %lt3A_508 = arith.constant 0 : i32
    %lt3A_509 = vector.broadcast %lt3A_508 : i32 to vector<16xi32>
    %lt3A_510 = arith.cmpi slt, %scan3A_484, %lt3A_509 : vector<16xi32>
    %xor3A_511 = arith.constant 2147483647 : i32
    %xor3A_512 = vector.broadcast %xor3A_511 : i32 to vector<16xi32>
    %xor3A_513 = arith.xori %scan3A_484, %xor3A_512 : vector<16xi32>
    %select_n3A_514 = arith.select %lt3A_510, %xor3A_513, %scan3A_484 : vector<16xi1>, vector<16xi32>
    %bitcast_convert_type3A_515 = tpu.bitcast %select_n3A_514 : vector<16xi32> -> vector<16xf32>
    %add3A_516 = arith.constant 2 : i32
    %add3A_517 = vector.broadcast %add3A_516 : i32 to vector<16xi32>
    %add3A_518 = arith.addi %convert_element_type3A_468, %add3A_517 : vector<16xi32>
    %ge3A_519 = arith.cmpi sge, %scan3A_494#0, %add3A_518 : vector<16xi32>
    %select_n3A_520 = arith.select %ge3A_519, %scan3A_484, %and3A_507 : vector<16xi1>, vector<16xi32>
    %lt3A_521 = arith.constant 0 : i32
    %lt3A_522 = vector.broadcast %lt3A_521 : i32 to vector<16xi32>
    %lt3A_523 = arith.cmpi slt, %select_n3A_520, %lt3A_522 : vector<16xi32>
    %xor3A_524 = arith.constant 2147483647 : i32
    %xor3A_525 = vector.broadcast %xor3A_524 : i32 to vector<16xi32>
    %xor3A_526 = arith.xori %select_n3A_520, %xor3A_525 : vector<16xi32>
    %select_n3A_527 = arith.select %lt3A_523, %xor3A_526, %select_n3A_520 : vector<16xi1>, vector<16xi32>
    %bitcast_convert_type3A_528 = tpu.bitcast %select_n3A_527 : vector<16xi32> -> vector<16xf32>
    %gt3A_529 = arith.constant 0.000000e+00 : f32
    %gt3A_530 = vector.broadcast %gt3A_529 : f32 to vector<16xf32>
    %gt3A_531 = arith.cmpf ogt, %sub3A_470, %gt3A_530 : vector<16xf32>
    %select_n3A_532 = arith.select %gt3A_531, %bitcast_convert_type3A_528, %bitcast_convert_type3A_515 : vector<16xi1>, vector<16xf32>
    %sub3A_533 = arith.constant 1.000000e+00 : f32
    %sub3A_534 = vector.broadcast %sub3A_533 : f32 to vector<16xf32>
    %sub3A_535 = arith.subf %sub3A_534, %sub3A_470 : vector<16xf32>
    %mul3A_536 = arith.mulf %bitcast_convert_type3A_515, %sub3A_535 : vector<16xf32>
    %mul3A_537 = arith.mulf %select_n3A_532, %sub3A_470 : vector<16xf32>
    %add3A_538 = arith.addf %mul3A_536, %mul3A_537 : vector<16xf32>
    %sub3A_539 = arith.constant 9.99999993E-9 : f32
    %sub3A_540 = vector.broadcast %sub3A_539 : f32 to vector<16xf32>
    %sub3A_541 = arith.subf %sub3A_540, %add3A_538 : vector<16xf32>
    %broadcast_in_dim3A_542 = arith.constant 0.000000e+00 : f32
    %broadcast_in_dim3A_543 = vector.broadcast %broadcast_in_dim3A_542 : f32 to vector<16xf32>
    %scan3A_544 = arith.constant 0 : i32
    %scan3A_545 = arith.constant 2048 : i32
    %scan3A_546 = arith.addi %scan3A_544, %scan3A_545 : i32
    %scan3A_547 = arith.constant 1 : i32
    %scan3A_548 = scf.for %scan3A_760 = %scan3A_544 to %scan3A_546 step %scan3A_547 iter_args(%scan3A_761 = %broadcast_in_dim3A_543) -> (vector<16xf32>)  : i32 {
      %mul3A_762 = arith.constant 16 : i32
      %mul3A_763 = arith.muli %scan3A_760, %mul3A_762 : i32
      %get3A_764 = arith.index_cast %mul3A_763 : i32 to index
      %get3A_765 = tpu.vector_load %arg5[%get3A_764] {strides = array<i32>} : memref<32768xf32, #tpu.memory_space<vmem>>, vector<16xf32>,
      %sub3A_766 = arith.subf %get3A_765, %broadcast_in_dim3A_439 : vector<16xf32>
      %exp3A = math.exp %sub3A_766 : vector<16xf32>
      %add3A_767 = arith.addf %sub3A_766, %sub3A_541 : vector<16xf32>
      %max3A_768 = arith.constant 0.000000e+00 : f32
      %max3A_769 = vector.broadcast %max3A_768 : f32 to vector<16xf32>
      %max3A_770 = arith.maximumf %add3A_767, %max3A_769 : vector<16xf32>
      %mul3A_771 = arith.mulf %exp3A, %max3A_770 : vector<16xf32>
      %mul3A_772 = arith.constant 16 : i32
      %mul3A_773 = arith.muli %scan3A_760, %mul3A_772 : i32
      %swap3A = arith.index_cast %mul3A_773 : i32 to index
      %swap3A_774 = tpu.vector_load %arg7[%swap3A] {strides = array<i32>} : memref<32768xf32, #tpu.memory_space<vmem>>, vector<16xf32>,
      tpu.vector_store %arg7[%swap3A], %mul3A_771 {strides = array<i32>} : memref<32768xf32, #tpu.memory_space<vmem>>, vector<16xf32>,
      %add3A_775 = arith.addf %scan3A_761, %mul3A_771 : vector<16xf32>
      scf.yield %add3A_775 : vector<16xf32>
    }
    %scan3A_549 = arith.constant 2048 : i32
    %broadcast_in_dim3A_550 = arith.constant 1.000000e+00 : f32
    %broadcast_in_dim3A_551 = vector.broadcast %broadcast_in_dim3A_550 : f32 to vector<16xf32>
    %reduce_sum3A_552 = arith.constant true
    %reduce_sum3A_553 = vector.broadcast %reduce_sum3A_552 : i1 to vector<16xi1>
    %reduce_sum3A_554 = tpu.scan <sum>, %scan3A_548 masked %reduce_sum3A_553 : vector<16xf32>, vector<16xi1> -> vector<16xf32>
    %reduce_sum3A_555 = vector.extract %reduce_sum3A_554[15] : f32 from vector<16xf32>
    %broadcast_in_dim3A_556 = vector.broadcast %reduce_sum3A_555 : f32 to vector<16xf32>
    %div3A_557 = arith.divf %broadcast_in_dim3A_551, %broadcast_in_dim3A_556 : vector<16xf32>
    %scan3A_558 = arith.constant 0 : i32
    %scan3A_559 = arith.constant 0 : i32
    %scan3A_560 = arith.constant 2048 : i32
    %scan3A_561 = arith.addi %scan3A_559, %scan3A_560 : i32
    %scan3A_562 = arith.constant 1 : i32
    scf.for %scan3A_760 = %scan3A_559 to %scan3A_561 step %scan3A_562  : i32 {
      %mul3A_761 = arith.constant 16 : i32
      %mul3A_762 = arith.muli %scan3A_760, %mul3A_761 : i32
      %get3A_763 = arith.index_cast %mul3A_762 : i32 to index
      %get3A_764 = tpu.vector_load %arg7[%get3A_763] {strides = array<i32>} : memref<32768xf32, #tpu.memory_space<vmem>>, vector<16xf32>,
      %mul3A_765 = arith.mulf %get3A_764, %div3A_557 : vector<16xf32>
      %mul3A_766 = arith.constant 16 : i32
      %mul3A_767 = arith.muli %scan3A_760, %mul3A_766 : i32
      %swap3A = arith.index_cast %mul3A_767 : i32 to index
      %swap3A_768 = tpu.vector_load %arg7[%swap3A] {strides = array<i32>} : memref<32768xf32, #tpu.memory_space<vmem>>, vector<16xf32>,
      tpu.vector_store %arg7[%swap3A], %mul3A_765 {strides = array<i32>} : memref<32768xf32, #tpu.memory_space<vmem>>, vector<16xf32>,
    }
    %scan3A_563 = arith.constant 2048 : i32
    "tpu.region"() ({
      %run_scoped3A = tpu.sem_alloc : memref<!tpu.dma_semaphore, #tpu.memory_space<semaphore_mem>>
      %dma_start3A = arith.constant 0 : i32
      %dma_start3A_760 = tpu.memref_slice %arg4[%add3A_371, %dma_start3A] : memref<128x32768xf32, #tpu.memory_space<hbm>> -> memref<1x32768xf32, #tpu.memory_space<hbm>>
      %dma_start3A_761 = tpu.memref_squeeze %dma_start3A_760 : memref<1x32768xf32, #tpu.memory_space<hbm>> -> memref<32768xf32, #tpu.memory_space<hbm>>
      %dma_start3A_762 = arith.constant 0 : i32
      %dma_start3A_763 = tpu.memref_slice %arg4[%add3A_371, %dma_start3A_762] : memref<128x32768xf32, #tpu.memory_space<hbm>> -> memref<1x32768xf32, #tpu.memory_space<hbm>>
      %dma_start3A_764 = tpu.memref_squeeze %dma_start3A_763 : memref<1x32768xf32, #tpu.memory_space<hbm>> -> memref<32768xf32, #tpu.memory_space<hbm>>
      tpu.enqueue_dma source(%arg7 : memref<32768xf32, #tpu.memory_space<vmem>>) target(%dma_start3A_764 : memref<32768xf32, #tpu.memory_space<hbm>>) target_semaphore(%run_scoped3A : memref<!tpu.dma_semaphore, #tpu.memory_space<semaphore_mem>>)
      %dma_wait3A = arith.constant 0 : i32
      %dma_wait3A_765 = tpu.memref_slice %arg4[%add3A_371, %dma_wait3A] : memref<128x32768xf32, #tpu.memory_space<hbm>> -> memref<1x32768xf32, #tpu.memory_space<hbm>>
      %dma_wait3A_766 = tpu.memref_squeeze %dma_wait3A_765 : memref<1x32768xf32, #tpu.memory_space<hbm>> -> memref<32768xf32, #tpu.memory_space<hbm>>
      %dma_wait3A_767 = arith.constant 0 : i32
      %dma_wait3A_768 = tpu.memref_slice %arg4[%add3A_371, %dma_wait3A_767] : memref<128x32768xf32, #tpu.memory_space<hbm>> -> memref<1x32768xf32, #tpu.memory_space<hbm>>
      %dma_wait3A_769 = tpu.memref_squeeze %dma_wait3A_768 : memref<1x32768xf32, #tpu.memory_space<hbm>> -> memref<32768xf32, #tpu.memory_space<hbm>>
      tpu.wait_dma2 semaphore(%run_scoped3A : memref<!tpu.dma_semaphore, #tpu.memory_space<semaphore_mem>>) src(%arg7 : memref<32768xf32, #tpu.memory_space<vmem>>) dst(%dma_wait3A_769 : memref<32768xf32, #tpu.memory_space<hbm>>)
      tpu.yield
    }) : () -> ()
    %mul3A_564 = arith.constant 4 : i32
    %mul3A_565 = arith.muli %add3A, %mul3A_564 : i32
    %add3A_566 = arith.constant 3 : i32
    %add3A_567 = arith.addi %mul3A_565, %add3A_566 : i32
    "tpu.region"() ({
      %run_scoped3A = tpu.sem_alloc : memref<!tpu.dma_semaphore, #tpu.memory_space<semaphore_mem>>
      %dma_start3A = arith.constant 0 : i32
      %dma_start3A_760 = tpu.memref_slice %arg2[%add3A_567, %dma_start3A] : memref<128x32768xf32, #tpu.memory_space<hbm>> -> memref<1x32768xf32, #tpu.memory_space<hbm>>
      %dma_start3A_761 = tpu.memref_squeeze %dma_start3A_760 : memref<1x32768xf32, #tpu.memory_space<hbm>> -> memref<32768xf32, #tpu.memory_space<hbm>>
      %dma_start3A_762 = arith.constant 0 : i32
      %dma_start3A_763 = tpu.memref_slice %arg2[%add3A_567, %dma_start3A_762] : memref<128x32768xf32, #tpu.memory_space<hbm>> -> memref<1x32768xf32, #tpu.memory_space<hbm>>
      %dma_start3A_764 = tpu.memref_squeeze %dma_start3A_763 : memref<1x32768xf32, #tpu.memory_space<hbm>> -> memref<32768xf32, #tpu.memory_space<hbm>>
      tpu.enqueue_dma source(%dma_start3A_764 : memref<32768xf32, #tpu.memory_space<hbm>>) target(%arg5 : memref<32768xf32, #tpu.memory_space<vmem>>) target_semaphore(%run_scoped3A : memref<!tpu.dma_semaphore, #tpu.memory_space<semaphore_mem>>)
      %dma_wait3A = arith.constant 0 : i32
      %dma_wait3A_765 = tpu.memref_slice %arg2[%add3A_567, %dma_wait3A] : memref<128x32768xf32, #tpu.memory_space<hbm>> -> memref<1x32768xf32, #tpu.memory_space<hbm>>
      %dma_wait3A_766 = tpu.memref_squeeze %dma_wait3A_765 : memref<1x32768xf32, #tpu.memory_space<hbm>> -> memref<32768xf32, #tpu.memory_space<hbm>>
      %dma_wait3A_767 = arith.constant 0 : i32
      %dma_wait3A_768 = tpu.memref_slice %arg2[%add3A_567, %dma_wait3A_767] : memref<128x32768xf32, #tpu.memory_space<hbm>> -> memref<1x32768xf32, #tpu.memory_space<hbm>>
      %dma_wait3A_769 = tpu.memref_squeeze %dma_wait3A_768 : memref<1x32768xf32, #tpu.memory_space<hbm>> -> memref<32768xf32, #tpu.memory_space<hbm>>
      tpu.wait_dma2 semaphore(%run_scoped3A : memref<!tpu.dma_semaphore, #tpu.memory_space<semaphore_mem>>) src(%dma_wait3A_769 : memref<32768xf32, #tpu.memory_space<hbm>>) dst(%arg5 : memref<32768xf32, #tpu.memory_space<vmem>>)
      tpu.yield
    }) : () -> ()
    %jit3A_568 = arith.constant 16 : i32
    %div3A_569 = arith.divsi %add3A_567, %jit3A_568 : i32
    %sign3A_570 = arith.constant 0 : i32
    %sign3A_571 = arith.cmpi sgt, %add3A_567, %sign3A_570 : i32
    %sign3A_572 = arith.extui %sign3A_571 : i1 to i32
    %sign3A_573 = arith.constant 0 : i32
    %sign3A_574 = arith.cmpi slt, %add3A_567, %sign3A_573 : i32
    %sign3A_575 = arith.extui %sign3A_574 : i1 to i32
    %sign3A_576 = arith.subi %sign3A_572, %sign3A_575 : i32
    %sign3A_577 = arith.constant 0 : i32
    %sign3A_578 = arith.cmpi sgt, %jit3A_568, %sign3A_577 : i32
    %sign3A_579 = arith.extui %sign3A_578 : i1 to i32
    %sign3A_580 = arith.constant 0 : i32
    %sign3A_581 = arith.cmpi slt, %jit3A_568, %sign3A_580 : i32
    %sign3A_582 = arith.extui %sign3A_581 : i1 to i32
    %sign3A_583 = arith.subi %sign3A_579, %sign3A_582 : i32
    %ne3A_584 = arith.cmpi ne, %sign3A_576, %sign3A_583 : i32
    %rem3A_585 = arith.remsi %add3A_567, %jit3A_568 : i32
    %ne3A_586 = arith.constant 0 : i32
    %ne3A_587 = arith.cmpi ne, %rem3A_585, %ne3A_586 : i32
    %and3A_588 = arith.andi %ne3A_584, %ne3A_587 : i1
    %sub3A_589 = arith.constant 1 : i32
    %sub3A_590 = arith.subi %div3A_569, %sub3A_589 : i32
    %select_n3A_591 = arith.select %and3A_588, %sub3A_590, %div3A_569 : i32
    %mul3A_592 = arith.constant 16 : i32
    %mul3A_593 = arith.muli %select_n3A_591, %mul3A_592 : i32
    %get3A_594 = arith.index_cast %mul3A_593 : i32 to index
    %get3A_595 = tpu.vector_load %arg8[%get3A_594] {strides = array<i32>} : memref<128xf32, #tpu.memory_space<vmem>>, vector<16xf32>,
    %iota3A_596 = tpu.iota {dimensions = array<i32: 0>} : vector<16xi32>
    %jit3A_597 = arith.constant 16 : i32
    %eq3A_598 = arith.constant 0 : i32
    %eq3A_599 = arith.cmpi eq, %jit3A_597, %eq3A_598 : i32
    %jit3A_600 = arith.constant 1 : i32
    %select_n3A_601 = arith.select %eq3A_599, %jit3A_600, %jit3A_597 : i32
    %rem3A_602 = arith.remsi %add3A_567, %select_n3A_601 : i32
    %ne3A_603 = arith.constant 0 : i32
    %ne3A_604 = arith.cmpi ne, %rem3A_602, %ne3A_603 : i32
    %lt3A_605 = arith.constant 0 : i32
    %lt3A_606 = arith.cmpi slt, %rem3A_602, %lt3A_605 : i32
    %lt3A_607 = arith.constant 0 : i32
    %lt3A_608 = arith.cmpi slt, %select_n3A_601, %lt3A_607 : i32
    %ne3A_609 = arith.xori %lt3A_606, %lt3A_608 : i1
    %and3A_610 = arith.andi %ne3A_609, %ne3A_604 : i1
    %add3A_611 = arith.addi %rem3A_602, %select_n3A_601 : i32
    %select_n3A_612 = arith.select %and3A_610, %add3A_611, %rem3A_602 : i32
    %eq3A_613 = vector.broadcast %select_n3A_612 : i32 to vector<16xi32>
    %eq3A_614 = arith.cmpi eq, %iota3A_596, %eq3A_613 : vector<16xi32>
    %jit3A_615 = arith.constant 0xFF800000 : f32
    %broadcast_in_dim3A_616 = vector.broadcast %jit3A_615 : f32 to vector<16xf32>
    %select_n3A_617 = arith.select %eq3A_614, %get3A_595, %broadcast_in_dim3A_616 : vector<16xi1>, vector<16xf32>
    %reduce_max3A_618 = arith.constant true
    %reduce_max3A_619 = vector.broadcast %reduce_max3A_618 : i1 to vector<16xi1>
    %reduce_max3A_620 = tpu.scan <max>, %select_n3A_617 masked %reduce_max3A_619 : vector<16xf32>, vector<16xi1> -> vector<16xf32>
    %reduce_max3A_621 = vector.extract %reduce_max3A_620[15] : f32 from vector<16xf32>
    %broadcast_in_dim3A_622 = vector.broadcast %reduce_max3A_621 : f32 to vector<16xf32>
    %broadcast_in_dim3A_623 = arith.constant 0xFF800000 : f32
    %broadcast_in_dim3A_624 = vector.broadcast %broadcast_in_dim3A_623 : f32 to vector<16xf32>
    %scan3A_625 = arith.constant 0 : i32
    %scan3A_626 = arith.constant 2048 : i32
    %scan3A_627 = arith.addi %scan3A_625, %scan3A_626 : i32
    %scan3A_628 = arith.constant 1 : i32
    %scan3A_629 = scf.for %scan3A_760 = %scan3A_625 to %scan3A_627 step %scan3A_628 iter_args(%scan3A_761 = %broadcast_in_dim3A_624) -> (vector<16xf32>)  : i32 {
      %mul3A_762 = arith.constant 16 : i32
      %mul3A_763 = arith.muli %scan3A_760, %mul3A_762 : i32
      %get3A_764 = arith.index_cast %mul3A_763 : i32 to index
      %get3A_765 = tpu.vector_load %arg5[%get3A_764] {strides = array<i32>} : memref<32768xf32, #tpu.memory_space<vmem>>, vector<16xf32>,
      %max3A_766 = arith.maximumf %scan3A_761, %get3A_765 : vector<16xf32>
      scf.yield %max3A_766 : vector<16xf32>
    }
    %scan3A_630 = arith.constant 2048 : i32
    %reduce_max3A_631 = arith.constant true
    %reduce_max3A_632 = vector.broadcast %reduce_max3A_631 : i1 to vector<16xi1>
    %reduce_max3A_633 = tpu.scan <max>, %scan3A_629 masked %reduce_max3A_632 : vector<16xf32>, vector<16xi1> -> vector<16xf32>
    %reduce_max3A_634 = vector.extract %reduce_max3A_633[15] : f32 from vector<16xf32>
    %broadcast_in_dim3A_635 = vector.broadcast %reduce_max3A_634 : f32 to vector<16xf32>
    %broadcast_in_dim3A_636 = arith.constant 0 : i32
    %broadcast_in_dim3A_637 = vector.broadcast %broadcast_in_dim3A_636 : i32 to vector<16xi32>
    %broadcast_in_dim3A_638 = arith.constant 0 : i32
    %broadcast_in_dim3A_639 = vector.broadcast %broadcast_in_dim3A_638 : i32 to vector<16xi32>
    %scan3A_640 = arith.constant 0 : i32
    %scan3A_641 = arith.constant 2048 : i32
    %scan3A_642 = arith.addi %scan3A_640, %scan3A_641 : i32
    %scan3A_643 = arith.constant 1 : i32
    %scan3A_644:2 = scf.for %scan3A_760 = %scan3A_640 to %scan3A_642 step %scan3A_643 iter_args(%scan3A_761 = %broadcast_in_dim3A_637, %scan3A_762 = %broadcast_in_dim3A_639) -> (vector<16xi32>, vector<16xi32>)  : i32 {
      %mul3A_763 = arith.constant 16 : i32
      %mul3A_764 = arith.muli %scan3A_760, %mul3A_763 : i32
      %get3A_765 = arith.index_cast %mul3A_764 : i32 to index
      %get3A_766 = tpu.vector_load %arg5[%get3A_765] {strides = array<i32>} : memref<32768xf32, #tpu.memory_space<vmem>>, vector<16xf32>,
      %sub3A_767 = arith.subf %get3A_766, %broadcast_in_dim3A_635 : vector<16xf32>
      %exp3A = math.exp %sub3A_767 : vector<16xf32>
      %eq3A_768 = arith.constant 0.000000e+00 : f32
      %eq3A_769 = vector.broadcast %eq3A_768 : f32 to vector<16xf32>
      %eq3A_770 = arith.cmpf oeq, %exp3A, %eq3A_769 : vector<16xf32>
      %all_reduce_population_count3A = tpu.all_reduce %eq3A_770 {dim = 0 : i64, kind = #tpu.reduction_kind<sum>} : vector<16xi1> -> vector<16xi32>
      %add3A_771 = arith.addi %scan3A_761, %all_reduce_population_count3A : vector<16xi32>
      %eq3A_772 = arith.constant 0.000000e+00 : f32
      %eq3A_773 = vector.broadcast %eq3A_772 : f32 to vector<16xf32>
      %eq3A_774 = arith.cmpf oeq, %sub3A_767, %eq3A_773 : vector<16xf32>
      %all_reduce_population_count3A_775 = tpu.all_reduce %eq3A_774 {dim = 0 : i64, kind = #tpu.reduction_kind<sum>} : vector<16xi1> -> vector<16xi32>
      %add3A_776 = arith.addi %scan3A_762, %all_reduce_population_count3A_775 : vector<16xi32>
      %convert_element_type3A_777 = arith.extui %eq3A_770 : vector<16xi1> to vector<16xi32>
      %convert_element_type3A_778 = arith.sitofp %convert_element_type3A_777 : vector<16xi32> to vector<16xf32>
      %sub3A_779 = arith.constant 1.000000e+00 : f32
      %sub3A_780 = vector.broadcast %sub3A_779 : f32 to vector<16xf32>
      %sub3A_781 = arith.subf %sub3A_780, %convert_element_type3A_778 : vector<16xf32>
      %mul3A_782 = arith.mulf %sub3A_767, %sub3A_781 : vector<16xf32>
      %bitcast_convert_type3A_783 = tpu.bitcast %mul3A_782 : vector<16xf32> -> vector<16xi32>
      %lt3A_784 = arith.constant 0 : i32
      %lt3A_785 = vector.broadcast %lt3A_784 : i32 to vector<16xi32>
      %lt3A_786 = arith.cmpi slt, %bitcast_convert_type3A_783, %lt3A_785 : vector<16xi32>
      %xor3A_787 = arith.constant 2147483647 : i32
      %xor3A_788 = vector.broadcast %xor3A_787 : i32 to vector<16xi32>
      %xor3A_789 = arith.xori %bitcast_convert_type3A_783, %xor3A_788 : vector<16xi32>
      %select_n3A_790 = arith.select %lt3A_786, %xor3A_789, %bitcast_convert_type3A_783 : vector<16xi1>, vector<16xi32>
      %mul3A_791 = arith.constant 16 : i32
      %mul3A_792 = arith.muli %scan3A_760, %mul3A_791 : i32
      %swap3A = arith.index_cast %mul3A_792 : i32 to index
      %swap3A_793 = tpu.vector_load %arg6[%swap3A] {strides = array<i32>} : memref<32768xi32, #tpu.memory_space<vmem>>, vector<16xi32>,
      tpu.vector_store %arg6[%swap3A], %select_n3A_790 {strides = array<i32>} : memref<32768xi32, #tpu.memory_space<vmem>>, vector<16xi32>,
      scf.yield %add3A_771, %add3A_776 : vector<16xi32>, vector<16xi32>
    }
    %scan3A_645 = arith.constant 2048 : i32
    %convert_element_type3A_646 = arith.sitofp %scan3A_644#0 : vector<16xi32> to vector<16xf32>
    %mul3A_647 = arith.constant 3.05175781E-5 : f32
    %mul3A_648 = vector.broadcast %mul3A_647 : f32 to vector<16xf32>
    %mul3A_649 = arith.mulf %convert_element_type3A_646, %mul3A_648 : vector<16xf32>
    %sub3A_650 = arith.subf %broadcast_in_dim3A_622, %mul3A_649 : vector<16xf32>
    %sub3A_651 = arith.constant 1.000000e+00 : f32
    %sub3A_652 = vector.broadcast %sub3A_651 : f32 to vector<16xf32>
    %sub3A_653 = arith.subf %sub3A_652, %mul3A_649 : vector<16xf32>
    %div3A_654 = arith.divf %sub3A_650, %sub3A_653 : vector<16xf32>
    %jit3A_655 = arith.constant 0.000000e+00 : f32
    %jit3A_656 = arith.constant 1.000000e+00 : f32
    %max3A_657 = vector.broadcast %jit3A_655 : f32 to vector<16xf32>
    %max3A_658 = arith.maximumf %max3A_657, %div3A_654 : vector<16xf32>
    %min3A_659 = vector.broadcast %jit3A_656 : f32 to vector<16xf32>
    %min3A_660 = arith.minimumf %min3A_659, %max3A_658 : vector<16xf32>
    %mul3A_661 = arith.constant 3.276700e+04 : f32
    %mul3A_662 = vector.broadcast %mul3A_661 : f32 to vector<16xf32>
    %mul3A_663 = arith.mulf %min3A_660, %mul3A_662 : vector<16xf32>
    %convert_element_type3A_664 = arith.fptosi %mul3A_663 : vector<16xf32> to vector<16xi32>
    %convert_element_type3A_665 = arith.sitofp %convert_element_type3A_664 : vector<16xi32> to vector<16xf32>
    %sub3A_666 = arith.subf %mul3A_663, %convert_element_type3A_665 : vector<16xf32>
    %broadcast_in_dim3A_667 = arith.constant 32768 : i32
    %broadcast_in_dim3A_668 = vector.broadcast %broadcast_in_dim3A_667 : i32 to vector<16xi32>
    %sub3A_669 = arith.subi %broadcast_in_dim3A_668, %scan3A_644#1 : vector<16xi32>
    %le3A_670 = arith.cmpi sle, %sub3A_669, %convert_element_type3A_664 : vector<16xi32>
    %broadcast_in_dim3A_671 = arith.constant 0 : i32
    %broadcast_in_dim3A_672 = vector.broadcast %broadcast_in_dim3A_671 : i32 to vector<16xi32>
    %broadcast_in_dim3A_673 = arith.constant -2147483648 : i32
    %broadcast_in_dim3A_674 = vector.broadcast %broadcast_in_dim3A_673 : i32 to vector<16xi32>
    %select_n3A_675 = arith.select %le3A_670, %broadcast_in_dim3A_672, %broadcast_in_dim3A_674 : vector<16xi1>, vector<16xi32>
    %scan3A_676 = arith.constant 0 : i32
    %scan3A_677 = arith.constant 19 : i32
    %scan3A_678 = arith.addi %scan3A_676, %scan3A_677 : i32
    %scan3A_679 = arith.constant 1 : i32
    %scan3A_680 = scf.for %scan3A_760 = %scan3A_676 to %scan3A_678 step %scan3A_679 iter_args(%scan3A_761 = %select_n3A_675) -> (vector<16xi32>)  : i32 {
      %sub3A_762 = arith.constant 30 : i32
      %sub3A_763 = arith.subi %sub3A_762, %scan3A_760 : i32
      %shift_left3A = arith.constant 1 : i32
      %shift_left3A_764 = arith.shli %shift_left3A, %sub3A_763 : i32
      %add3A_765 = vector.broadcast %shift_left3A_764 : i32 to vector<16xi32>
      %add3A_766 = arith.addi %scan3A_761, %add3A_765 : vector<16xi32>
      %broadcast_in_dim3A_767 = arith.constant 0 : i32
      %broadcast_in_dim3A_768 = vector.broadcast %broadcast_in_dim3A_767 : i32 to vector<16xi32>
      %scan3A_769 = arith.constant 0 : i32
      %scan3A_770 = arith.constant 2048 : i32
      %scan3A_771 = arith.addi %scan3A_769, %scan3A_770 : i32
      %scan3A_772 = arith.constant 1 : i32
      %scan3A_773 = scf.for %scan3A_777 = %scan3A_769 to %scan3A_771 step %scan3A_772 iter_args(%scan3A_778 = %broadcast_in_dim3A_768) -> (vector<16xi32>)  : i32 {
        %mul3A_779 = arith.constant 16 : i32
        %mul3A_780 = arith.muli %scan3A_777, %mul3A_779 : i32
        %get3A_781 = arith.index_cast %mul3A_780 : i32 to index
        %get3A_782 = tpu.vector_load %arg6[%get3A_781] {strides = array<i32>} : memref<32768xi32, #tpu.memory_space<vmem>>, vector<16xi32>,
        %lt3A_783 = arith.cmpi slt, %get3A_782, %add3A_766 : vector<16xi32>
        %all_reduce_population_count3A = tpu.all_reduce %lt3A_783 {dim = 0 : i64, kind = #tpu.reduction_kind<sum>} : vector<16xi1> -> vector<16xi32>
        %add3A_784 = arith.addi %scan3A_778, %all_reduce_population_count3A : vector<16xi32>
        scf.yield %add3A_784 : vector<16xi32>
      }
      %scan3A_774 = arith.constant 2048 : i32
      %le3A_775 = arith.cmpi sle, %scan3A_773, %convert_element_type3A_664 : vector<16xi32>
      %select_n3A_776 = arith.select %le3A_775, %add3A_766, %scan3A_761 : vector<16xi1>, vector<16xi32>
      scf.yield %select_n3A_776 : vector<16xi32>
    }
    %scan3A_681 = arith.constant 19 : i32
    %broadcast_in_dim3A_682 = arith.constant 0 : i32
    %broadcast_in_dim3A_683 = vector.broadcast %broadcast_in_dim3A_682 : i32 to vector<16xi32>
    %broadcast_in_dim3A_684 = arith.constant 2147483647 : i32
    %broadcast_in_dim3A_685 = vector.broadcast %broadcast_in_dim3A_684 : i32 to vector<16xi32>
    %scan3A_686 = arith.constant 0 : i32
    %scan3A_687 = arith.constant 2048 : i32
    %scan3A_688 = arith.addi %scan3A_686, %scan3A_687 : i32
    %scan3A_689 = arith.constant 1 : i32
    %scan3A_690:2 = scf.for %scan3A_760 = %scan3A_686 to %scan3A_688 step %scan3A_689 iter_args(%scan3A_761 = %broadcast_in_dim3A_683, %scan3A_762 = %broadcast_in_dim3A_685) -> (vector<16xi32>, vector<16xi32>)  : i32 {
      %mul3A_763 = arith.constant 16 : i32
      %mul3A_764 = arith.muli %scan3A_760, %mul3A_763 : i32
      %get3A_765 = arith.index_cast %mul3A_764 : i32 to index
      %get3A_766 = tpu.vector_load %arg6[%get3A_765] {strides = array<i32>} : memref<32768xi32, #tpu.memory_space<vmem>>, vector<16xi32>,
      %add3A_767 = arith.constant 4096 : i32
      %add3A_768 = vector.broadcast %add3A_767 : i32 to vector<16xi32>
      %add3A_769 = arith.addi %scan3A_680, %add3A_768 : vector<16xi32>
      %lt3A_770 = arith.cmpi slt, %get3A_766, %add3A_769 : vector<16xi32>
      %all_reduce_population_count3A = tpu.all_reduce %lt3A_770 {dim = 0 : i64, kind = #tpu.reduction_kind<sum>} : vector<16xi1> -> vector<16xi32>
      %add3A_771 = arith.addi %scan3A_761, %all_reduce_population_count3A : vector<16xi32>
      %jit3A_772 = arith.constant 2147483647 : i32
      %broadcast_in_dim3A_773 = vector.broadcast %jit3A_772 : i32 to vector<16xi32>
      %select_n3A_774 = arith.select %lt3A_770, %broadcast_in_dim3A_773, %get3A_766 : vector<16xi1>, vector<16xi32>
      %min3A_775 = arith.minsi %scan3A_762, %select_n3A_774 : vector<16xi32>
      scf.yield %add3A_771, %min3A_775 : vector<16xi32>, vector<16xi32>
    }
    %scan3A_691 = arith.constant 2048 : i32
    %reduce_min3A_692 = arith.constant true
    %reduce_min3A_693 = vector.broadcast %reduce_min3A_692 : i1 to vector<16xi1>
    %reduce_min3A_694 = arith.constant -2147483648 : i32
    %reduce_min3A_695 = vector.broadcast %reduce_min3A_694 : i32 to vector<16xi32>
    %reduce_min3A_696 = arith.xori %scan3A_690#1, %reduce_min3A_695 : vector<16xi32>
    %reduce_min3A_697 = tpu.scan <min>, %reduce_min3A_696 masked %reduce_min3A_693 : vector<16xi32>, vector<16xi1> -> vector<16xi32>
    %reduce_min3A_698 = arith.xori %reduce_min3A_697, %reduce_min3A_695 : vector<16xi32>
    %reduce_min3A_699 = vector.extract %reduce_min3A_698[15] : i32 from vector<16xi32>
    %broadcast_in_dim3A_700 = vector.broadcast %reduce_min3A_699 : i32 to vector<16xi32>
    %and3A_701 = arith.constant -4096 : i32
    %and3A_702 = vector.broadcast %and3A_701 : i32 to vector<16xi32>
    %and3A_703 = arith.andi %broadcast_in_dim3A_700, %and3A_702 : vector<16xi32>
    %lt3A_704 = arith.constant 0 : i32
    %lt3A_705 = vector.broadcast %lt3A_704 : i32 to vector<16xi32>
    %lt3A_706 = arith.cmpi slt, %scan3A_680, %lt3A_705 : vector<16xi32>
    %xor3A_707 = arith.constant 2147483647 : i32
    %xor3A_708 = vector.broadcast %xor3A_707 : i32 to vector<16xi32>
    %xor3A_709 = arith.xori %scan3A_680, %xor3A_708 : vector<16xi32>
    %select_n3A_710 = arith.select %lt3A_706, %xor3A_709, %scan3A_680 : vector<16xi1>, vector<16xi32>
    %bitcast_convert_type3A_711 = tpu.bitcast %select_n3A_710 : vector<16xi32> -> vector<16xf32>
    %add3A_712 = arith.constant 2 : i32
    %add3A_713 = vector.broadcast %add3A_712 : i32 to vector<16xi32>
    %add3A_714 = arith.addi %convert_element_type3A_664, %add3A_713 : vector<16xi32>
    %ge3A_715 = arith.cmpi sge, %scan3A_690#0, %add3A_714 : vector<16xi32>
    %select_n3A_716 = arith.select %ge3A_715, %scan3A_680, %and3A_703 : vector<16xi1>, vector<16xi32>
    %lt3A_717 = arith.constant 0 : i32
    %lt3A_718 = vector.broadcast %lt3A_717 : i32 to vector<16xi32>
    %lt3A_719 = arith.cmpi slt, %select_n3A_716, %lt3A_718 : vector<16xi32>
    %xor3A_720 = arith.constant 2147483647 : i32
    %xor3A_721 = vector.broadcast %xor3A_720 : i32 to vector<16xi32>
    %xor3A_722 = arith.xori %select_n3A_716, %xor3A_721 : vector<16xi32>
    %select_n3A_723 = arith.select %lt3A_719, %xor3A_722, %select_n3A_716 : vector<16xi1>, vector<16xi32>
    %bitcast_convert_type3A_724 = tpu.bitcast %select_n3A_723 : vector<16xi32> -> vector<16xf32>
    %gt3A_725 = arith.constant 0.000000e+00 : f32
    %gt3A_726 = vector.broadcast %gt3A_725 : f32 to vector<16xf32>
    %gt3A_727 = arith.cmpf ogt, %sub3A_666, %gt3A_726 : vector<16xf32>
    %select_n3A_728 = arith.select %gt3A_727, %bitcast_convert_type3A_724, %bitcast_convert_type3A_711 : vector<16xi1>, vector<16xf32>
    %sub3A_729 = arith.constant 1.000000e+00 : f32
    %sub3A_730 = vector.broadcast %sub3A_729 : f32 to vector<16xf32>
    %sub3A_731 = arith.subf %sub3A_730, %sub3A_666 : vector<16xf32>
    %mul3A_732 = arith.mulf %bitcast_convert_type3A_711, %sub3A_731 : vector<16xf32>
    %mul3A_733 = arith.mulf %select_n3A_728, %sub3A_666 : vector<16xf32>
    %add3A_734 = arith.addf %mul3A_732, %mul3A_733 : vector<16xf32>
    %sub3A_735 = arith.constant 9.99999993E-9 : f32
    %sub3A_736 = vector.broadcast %sub3A_735 : f32 to vector<16xf32>
    %sub3A_737 = arith.subf %sub3A_736, %add3A_734 : vector<16xf32>
    %broadcast_in_dim3A_738 = arith.constant 0.000000e+00 : f32
    %broadcast_in_dim3A_739 = vector.broadcast %broadcast_in_dim3A_738 : f32 to vector<16xf32>
    %scan3A_740 = arith.constant 0 : i32
    %scan3A_741 = arith.constant 2048 : i32
    %scan3A_742 = arith.addi %scan3A_740, %scan3A_741 : i32
    %scan3A_743 = arith.constant 1 : i32
    %scan3A_744 = scf.for %scan3A_760 = %scan3A_740 to %scan3A_742 step %scan3A_743 iter_args(%scan3A_761 = %broadcast_in_dim3A_739) -> (vector<16xf32>)  : i32 {
      %mul3A_762 = arith.constant 16 : i32
      %mul3A_763 = arith.muli %scan3A_760, %mul3A_762 : i32
      %get3A_764 = arith.index_cast %mul3A_763 : i32 to index
      %get3A_765 = tpu.vector_load %arg5[%get3A_764] {strides = array<i32>} : memref<32768xf32, #tpu.memory_space<vmem>>, vector<16xf32>,
      %sub3A_766 = arith.subf %get3A_765, %broadcast_in_dim3A_635 : vector<16xf32>
      %exp3A = math.exp %sub3A_766 : vector<16xf32>
      %add3A_767 = arith.addf %sub3A_766, %sub3A_737 : vector<16xf32>
      %max3A_768 = arith.constant 0.000000e+00 : f32
      %max3A_769 = vector.broadcast %max3A_768 : f32 to vector<16xf32>
      %max3A_770 = arith.maximumf %add3A_767, %max3A_769 : vector<16xf32>
      %mul3A_771 = arith.mulf %exp3A, %max3A_770 : vector<16xf32>
      %mul3A_772 = arith.constant 16 : i32
      %mul3A_773 = arith.muli %scan3A_760, %mul3A_772 : i32
      %swap3A = arith.index_cast %mul3A_773 : i32 to index
      %swap3A_774 = tpu.vector_load %arg7[%swap3A] {strides = array<i32>} : memref<32768xf32, #tpu.memory_space<vmem>>, vector<16xf32>,
      tpu.vector_store %arg7[%swap3A], %mul3A_771 {strides = array<i32>} : memref<32768xf32, #tpu.memory_space<vmem>>, vector<16xf32>,
      %add3A_775 = arith.addf %scan3A_761, %mul3A_771 : vector<16xf32>
      scf.yield %add3A_775 : vector<16xf32>
    }
    %scan3A_745 = arith.constant 2048 : i32
    %broadcast_in_dim3A_746 = arith.constant 1.000000e+00 : f32
    %broadcast_in_dim3A_747 = vector.broadcast %broadcast_in_dim3A_746 : f32 to vector<16xf32>
    %reduce_sum3A_748 = arith.constant true
    %reduce_sum3A_749 = vector.broadcast %reduce_sum3A_748 : i1 to vector<16xi1>
    %reduce_sum3A_750 = tpu.scan <sum>, %scan3A_744 masked %reduce_sum3A_749 : vector<16xf32>, vector<16xi1> -> vector<16xf32>
    %reduce_sum3A_751 = vector.extract %reduce_sum3A_750[15] : f32 from vector<16xf32>
    %broadcast_in_dim3A_752 = vector.broadcast %reduce_sum3A_751 : f32 to vector<16xf32>
    %div3A_753 = arith.divf %broadcast_in_dim3A_747, %broadcast_in_dim3A_752 : vector<16xf32>
    %scan3A_754 = arith.constant 0 : i32
    %scan3A_755 = arith.constant 0 : i32
    %scan3A_756 = arith.constant 2048 : i32
    %scan3A_757 = arith.addi %scan3A_755, %scan3A_756 : i32
    %scan3A_758 = arith.constant 1 : i32
    scf.for %scan3A_760 = %scan3A_755 to %scan3A_757 step %scan3A_758  : i32 {
      %mul3A_761 = arith.constant 16 : i32
      %mul3A_762 = arith.muli %scan3A_760, %mul3A_761 : i32
      %get3A_763 = arith.index_cast %mul3A_762 : i32 to index
      %get3A_764 = tpu.vector_load %arg7[%get3A_763] {strides = array<i32>} : memref<32768xf32, #tpu.memory_space<vmem>>, vector<16xf32>,
      %mul3A_765 = arith.mulf %get3A_764, %div3A_753 : vector<16xf32>
      %mul3A_766 = arith.constant 16 : i32
      %mul3A_767 = arith.muli %scan3A_760, %mul3A_766 : i32
      %swap3A = arith.index_cast %mul3A_767 : i32 to index
      %swap3A_768 = tpu.vector_load %arg7[%swap3A] {strides = array<i32>} : memref<32768xf32, #tpu.memory_space<vmem>>, vector<16xf32>,
      tpu.vector_store %arg7[%swap3A], %mul3A_765 {strides = array<i32>} : memref<32768xf32, #tpu.memory_space<vmem>>, vector<16xf32>,
    }
    %scan3A_759 = arith.constant 2048 : i32
    "tpu.region"() ({
      %run_scoped3A = tpu.sem_alloc : memref<!tpu.dma_semaphore, #tpu.memory_space<semaphore_mem>>
      %dma_start3A = arith.constant 0 : i32
      %dma_start3A_760 = tpu.memref_slice %arg4[%add3A_567, %dma_start3A] : memref<128x32768xf32, #tpu.memory_space<hbm>> -> memref<1x32768xf32, #tpu.memory_space<hbm>>
      %dma_start3A_761 = tpu.memref_squeeze %dma_start3A_760 : memref<1x32768xf32, #tpu.memory_space<hbm>> -> memref<32768xf32, #tpu.memory_space<hbm>>
      %dma_start3A_762 = arith.constant 0 : i32
      %dma_start3A_763 = tpu.memref_slice %arg4[%add3A_567, %dma_start3A_762] : memref<128x32768xf32, #tpu.memory_space<hbm>> -> memref<1x32768xf32, #tpu.memory_space<hbm>>
      %dma_start3A_764 = tpu.memref_squeeze %dma_start3A_763 : memref<1x32768xf32, #tpu.memory_space<hbm>> -> memref<32768xf32, #tpu.memory_space<hbm>>
      tpu.enqueue_dma source(%arg7 : memref<32768xf32, #tpu.memory_space<vmem>>) target(%dma_start3A_764 : memref<32768xf32, #tpu.memory_space<hbm>>) target_semaphore(%run_scoped3A : memref<!tpu.dma_semaphore, #tpu.memory_space<semaphore_mem>>)
      %dma_wait3A = arith.constant 0 : i32
      %dma_wait3A_765 = tpu.memref_slice %arg4[%add3A_567, %dma_wait3A] : memref<128x32768xf32, #tpu.memory_space<hbm>> -> memref<1x32768xf32, #tpu.memory_space<hbm>>
      %dma_wait3A_766 = tpu.memref_squeeze %dma_wait3A_765 : memref<1x32768xf32, #tpu.memory_space<hbm>> -> memref<32768xf32, #tpu.memory_space<hbm>>
      %dma_wait3A_767 = arith.constant 0 : i32
      %dma_wait3A_768 = tpu.memref_slice %arg4[%add3A_567, %dma_wait3A_767] : memref<128x32768xf32, #tpu.memory_space<hbm>> -> memref<1x32768xf32, #tpu.memory_space<hbm>>
      %dma_wait3A_769 = tpu.memref_squeeze %dma_wait3A_768 : memref<1x32768xf32, #tpu.memory_space<hbm>> -> memref<32768xf32, #tpu.memory_space<hbm>>
      tpu.wait_dma2 semaphore(%run_scoped3A : memref<!tpu.dma_semaphore, #tpu.memory_space<semaphore_mem>>) src(%arg7 : memref<32768xf32, #tpu.memory_space<vmem>>) dst(%dma_wait3A_769 : memref<32768xf32, #tpu.memory_space<hbm>>)
      tpu.yield
    }) : () -> ()
    return
  }
}

</mosaic_0001>

<sc_bundles>
// kernel: _rsoftmax_sc.3.cloned.1.call-start
scs
__scs_entry_jumppad:
0x0: {  	(pc) =	sbr.rel $0x88, $3  }
0x1: {  	(tag) =	ssettag $0x0;
	lr =	simm.s32 $0x1  }
0x2: {  	[smem:$0x3F9F] =	sst lr;
	_ =	strace $0xD0000000  }
0x3: {  	_ = 	snop  }
0x4: {  	_ = 	snop  }
0x5: {  	_ = 	snop  }
0x6: {  	_ = 	snop  }
0x7: {  	_ = 	snop  }
__scs_overlays_trampoline_lowered:
0x8: {  	[smem:$0x3FAE] =	sst s0  }
0x9: {  	[smem:$0x3FAF] =	sst s1  }
0xa: {  	[smem:$0x3FB0] =	sst s2  }
0xb: {  	[smem:$0x3FB1] =	sst s3  }
0xc: {  	[smem:$0x3FB2] =	sst s4  }
0xd: {  	[smem:$0x3FB3] =	sst s5  }
0xe: {  	[smem:$0x3FB4] =	sst s6  }
0xf: {  	[smem:$0x3FB5] =	sst s7  }
0x10: {  	[smem:$0x3FB6] =	sst s8  }
0x11: {  	[smem:$0x3FB7] =	sst s9;
	s0 =	simm.s32 @!p0 $0x0  }
0x12: {  	s1 =	sld [smem:$0x3F9D];
	s0 =	simm.s32 @p0 $0x1  }
0x13: {  	[smem:$0x3FB8] =	sst s0;
	s0 =	simm.s32 @!p1 $0x0  }
0x14: {  	s2 =	sld [smem:$0x3F9C];
	s0 =	simm.s32 @p1 $0x1  }
0x15: {  	[smem:$0x3FB9] =	sst s0;
	s0 =	simm.s32 @!p2 $0x0  }
0x16: {  	s3 =	sld [smem:$0x3FDB];
	s0 =	simm.s32 @p2 $0x1  }
0x17: {  	s4 =	simm.s32 $0x1BF5;
	[smem:$0x3FBB] =	sst s0  }
0x18: {  	s0 =	sld [smem:$0x3F9E];
	_ =	swait.ge [sflag:s4], $0x0  }
0x19: {  	s7 =	sld [smem:$0x3F9F]  }
0x1a: {  	s8 =	sadd.s32 $0xFFFFE003, lr  }
0x1b: {  	s9 =	sadd.s32 $0xFFFFFEF7, lr;
	s5 =	simm.s32 $0xFFFFFFFF;
	p2 =	slt.u32 s8, $0xFFFFF086  }
0x1c: {  	p1 =	slt.u32 s9, $0xF7A;
	s5 =	simm.s32 @!p2 $0x0  }
0x1d: {  	s5 =	simm.s32 @p1 $0x1;
	p0 =	seq.s32 s7, s2  }
0x1e: {  	s7 =	smul.u32 @!p0 $0xF7A, s2;
	p2 =	seq.s32 @!p0 s5, $0x0  }
0x1f: {  	s9 =	smul.u32 $0xF7A, s1;
	s8 =	simm.s32 @!p0 $0x1BF5;
	p2 =	por !p2, p0  }
0x20: {  	[sflag:s8] =	ssyncset.s32 @!p0 $0xFFFFF086;
	s6 =	sadd.s32 @!p0 s3, s7;
	s7 =	simm.s32 @!p0 $0x108  }
0x21: {  	s3 =	sadd.s32 s3, s9;
	s6 =	sadd.s32 @!p0 $0x88, s6;
	s7 =	simm.s32 @p2 $0x1082  }
0x22: {  	[simem:s7], [sflag:s8] =	dma.local @!p0 [hbm:s6], $0xF7A  }
0x23: {  	s9 =	sor.u32 $0xD0000000, s2;
	s6 =	simm.s32 $0x108;
	_ =	swait.ge @!p0 [sflag:s8], $0x0  }
0x24: {  	s3 =	sadd.s32 $0x88, s3;
	s6 =	simm.s32 @!p1 $0x1082;
	[sflag:s4] =	ssyncset.s32 $0xFFFFF086  }
0x25: {  	[simem:s6], [sflag:s4] =	dma.local [hbm:s3], $0xF7A  }
0x26: {  	[smem:$0x3F9F] =	sst s1;
	(tag) =	ssettag s2;
	_ =	strace s9  }
0x27: {  	s1 =	sld [smem:$0x3FAF]  }
0x28: {  	s2 =	sld [smem:$0x3FB0]  }
0x29: {  	s4 =	sld [smem:$0x3FB2]  }
0x2a: {  	p0 =	seq.s32 s5, $0x0;
	s5 =	sld [smem:$0x3FB3]  }
0x2b: {  	s6 =	sld [smem:$0x3FB4]  }
0x2c: {  	s7 =	sld [smem:$0x3FB5]  }
0x2d: {  	s3 =	simm.s32 $0x108;
	s8 =	sld [smem:$0x3FB6]  }
0x2e: {  	s3 =	simm.s32 @!p0 $0x1082;
	s9 =	sld [smem:$0x3FB7]  }
0x2f: {  	lr =	sadd.s32 s0, s3;
	s0 =	sld [smem:$0x3FAE]  }
0x30: {  	s3 =	sld [smem:$0x3FB1]  }
0x31: {  	[smem:$0x3FBA] =	sst s10  }
0x32: {  	s10 =	sld [smem:$0x3FB8];
	_ =	sdelay $0x3  }
0x33: {  	p0 =	seq.s32 s10, $0x1;
	s10 =	sld [smem:$0x3FBA];
	_ =	sdelay $0x3  }
0x34: {  	[smem:$0x3FBA] =	sst s10  }
0x35: {  	s10 =	sld [smem:$0x3FB9];
	_ =	sdelay $0x3  }
0x36: {  	p1 =	seq.s32 s10, $0x1;
	s10 =	sld [smem:$0x3FBA];
	_ =	sdelay $0x3  }
0x37: {  	[smem:$0x3FBA] =	sst s10  }
0x38: {  	s10 =	sld [smem:$0x3FBB]  }
0x39: {  	_ = 	snop;
	(pc) =	sbr.ind lr, $3  }
0x3a: {  	_ = 	snop  }
0x3b: {  	_ = 	snop  }
0x3c: {  	p2 =	seq.s32 s10, $0x1;
	s10 =	sld [smem:$0x3FBA]  }
0x3d: {  	_ =	shalt  }
0x3e: {  	_ =	shalt  }
0x3f: {  	_ =	shalt  }
0x40: {  	_ =	shalt  }
0x41: {  	_ =	shalt  }
0x42: {  	_ =	shalt  }
0x43: {  	_ =	shalt  }
0x44: {  	_ =	shalt  }
0x45: {  	_ =	shalt  }
0x46: {  	_ =	shalt  }
0x47: {  	_ =	shalt  }
0x48: {  	_ =	shalt  }
0x49: {  	_ =	shalt  }
0x4a: {  	_ =	shalt  }
0x4b: {  	_ =	shalt  }
0x4c: {  	_ =	shalt  }
0x4d: {  	_ =	shalt  }
0x4e: {  	_ =	shalt  }
0x4f: {  	_ =	shalt  }
0x50: {  	_ =	shalt  }
0x51: {  	_ =	shalt  }
0x52: {  	_ =	shalt  }
0x53: {  	_ =	shalt  }
0x54: {  	_ =	shalt  }
0x55: {  	_ =	shalt  }
0x56: {  	_ =	shalt  }
0x57: {  	_ =	shalt  }
0x58: {  	_ =	shalt  }
0x59: {  	_ =	shalt  }
0x5a: {  	_ =	shalt  }
0x5b: {  	_ =	shalt  }
0x5c: {  	_ =	shalt  }
0x5d: {  	_ =	shalt  }
0x5e: {  	_ =	shalt  }
0x5f: {  	_ =	shalt  }
0x60: {  	_ =	shalt  }
0x61: {  	_ =	shalt  }
0x62: {  	_ =	shalt  }
0x63: {  	_ =	shalt  }
0x64: {  	_ =	shalt  }
0x65: {  	_ =	shalt  }
0x66: {  	_ =	shalt  }
0x67: {  	_ =	shalt  }
0x68: {  	_ =	shalt  }
0x69: {  	_ =	shalt  }
0x6a: {  	_ =	shalt  }
0x6b: {  	_ =	shalt  }
0x6c: {  	_ =	shalt  }
0x6d: {  	_ =	shalt  }
0x6e: {  	_ =	shalt  }
0x6f: {  	_ =	shalt  }
0x70: {  	_ =	shalt  }
0x71: {  	_ =	shalt  }
0x72: {  	_ =	shalt  }
0x73: {  	_ =	shalt  }
0x74: {  	_ =	shalt  }
0x75: {  	_ =	shalt  }
0x76: {  	_ =	shalt  }
0x77: {  	_ =	shalt  }
0x78: {  	_ =	shalt  }
0x79: {  	_ =	shalt  }
0x7a: {  	_ =	shalt  }
0x7b: {  	_ =	shalt  }
0x7c: {  	_ =	shalt  }
0x7d: {  	_ =	shalt  }
0x7e: {  	_ =	shalt  }
0x7f: {  	_ =	shalt  }
0x80: {  	_ =	shalt  }
0x81: {  	_ =	shalt  }
0x82: {  	_ =	shalt  }
0x83: {  	_ =	shalt  }
0x84: {  	_ =	shalt  }
0x85: {  	_ =	shalt  }
0x86: {  	_ =	shalt  }
0x87: {  	_ =	shalt  }
.Lfunc_end0:
.L_simem_size_0:
called_computation_lowered:
.L_overlay_start_0:
0x88: {  	s2 =	sld [smem:$0x3FD9]  }
0x89: {  	s3 =	sld [smem:$0x3FFE];
	_ =	sdelay $0x1  }
0x8a: {  	s1 =	srdreg.scid  }
0x8b: {  	s0 =	sand.u32 $0x1, s1  }
0x8c: {  	s18 =	sshll.u32 s0, $0xA;
	s2 =	sadd.s32 s3, s2  }
0x8d: {  	s2 =	sadd.s32 s2, s18  }
0x8e: {  	[smem:$0x3FC6] =	sst s2  }
0x8f: {  	_ = 	snop  }
0x90: {  	s2 =	sld [smem:$0x3FC9]  }
0x91: {  	s19 =	sld [smem:$0x3FC8]  }
0x92: {  	s4 =	sld [smem:$0x3FD0];
	(tm) =	ssettm $0x1  }
0x93: {  	s5 =	sld [smem:$0x3FFB];
	_ =	sdelay $0x3  }
0x94: {  	_ =	strace s5  }
0x95: {  	s5 =	sld [smem:$0x3FFC];
	_ =	sdelay $0x3  }
0x96: {  	_ =	strace s5  }
0x97: {  	s5 =	sld [smem:$0x3FFD];
	_ =	sdelay $0x3  }
0x98: {  	_ =	strace s5  }
0x99: {  	_ =	strace $0x8FFFFFFF  }
0x9a: {  	s20 =	sld [smem:$0x3FDB];
	_ =	sdelay $0x1  }
0x9b: {  	s6 =	simm.s32 $_scs_section_size  }
0x9c: {  	s7 =	simm.s32 $_size__tile_overlayer_lowered;
	s8 =	simm.s32 $_tile_overlayer_lowered  }
0x9d: {  	s23 =	simm.s32 $0x1BFF;
	s22 =	sshll.u32 s8, $0x1;
	s5 =	sadd.s32 s6, s20  }
0x9e: {  	s9 =	simm.s32 $0x0;
	s21 =	sshll.u32 s7, $0x1;
	s7 =	sadd.s32 s22, s5  }
0x9f: {  	[timem:s9], [sflag:s23] =	dma.local [hbm:s7], s21  }
0xa0: {  	_ =	swait.ge [sflag:s23], s21  }
0xa1: {  	s6 =	ssub.s32 $0x0, s21;
	[sflag:s23] =	ssyncset.done $0x0  }
0xa2: {  	[sflag:s23] =	ssyncadd.s32 s6;
	_ =	sdelay $0x1  }
0xa3: {  	s24 =	simm.s32 $0x1B8B  }
0xa4: {  	_ =	swait.ge [sflag:s24], $0x1  }
0xa5: {  	[sflag:s24] =	ssyncset.done $0x0  }
0xa6: {  	s25 =	simm.s32 $0x1B8E;
	[sflag:s24] =	ssyncadd.s32 $0xFFFFFFFF  }
0xa7: {  	s26 =	simm.s32 $execute0_lowered;
	[smem:$0x3FD2] =	sst s25  }
0xa8: {  	s6 =	sshll.u32 s26, $0x1;
	_ =	strace $0x80000046;
	[dreg:$0x1] =	wrdreg $0xFFFFFFFF  }
0xa9: {  	s28 =	simm.s32 $_size_execute0_lowered;
	s5 =	sadd.s32 s5, s6;
	[dreg:$0x0] =	wrdreg $0x0  }
0xaa: {  	s6 =	sshll.u32 s28, $0x1;
	[dreg:$0x2] =	wrdreg s5  }
0xab: {  	[dreg:$0x3] =	wrdreg s6  }
0xac: {  	[dreg:$0x4] =	wrdreg $0xC0  }
0xad: {  	_ =	task [dreg:s9], $0x5FFFF  }
0xae: {  	[dreg:$0x1] =	wrdreg $0xFFFFFFFF  }
0xaf: {  	[dreg:$0x0] =	wrdreg $0x60  }
0xb0: {  	[dreg:$0x2] =	wrdreg s2  }
0xb1: {  	[dreg:$0x3] =	wrdreg s19  }
0xb2: {  	[dreg:$0x4] =	wrdreg s4  }
0xb3: {  	[dreg:$0x5] =	wrdreg $0x9  }
0xb4: {  	_ =	task.clear_ibuf [dreg:s9], $0x6FFFF;
	_ =	strace $0x90000046  }
0xb5: {  	s29 =	simm.s32 $0x9;
	_ =	strace $0x80000048  }
0xb6: {  	_ =	swait.ge [sflag:s29], $0x1  }
0xb7: {  	[sflag:s29] =	ssyncadd.s32 $0xFFFFFFFF  }
0xb8: {  	_ =	strace $0x90000048  }
0xb9: {  	_ =	sfence  }
0xba: {  	s30 =	sld [smem:$0x0];
	_ =	sdelay $0x2  }
0xbb: {  	s31 =	sshll.u32 s1, $0xD;
	s1 =	sshrl.u32 s1, $0x2  }
0xbc: {  	s3 =	sand.u32 $0x4000, s31;
	s1 =	sadd.s32 s1, s30  }
0xbd: {  	s0 =	sor.u32 s3, s0;
	s1 =	sshll.u32 s1, $0x11  }
0xbe: {  	s0 =	sor.u32 s1, s0  }
0xbf: {  	s0 =	sadd.s32 $0x8F2B, s0  }
0xc0: {  	[sflag:s0] =	ssyncadd.remote.s32 $0x1  }
0xc1: {  	_ =	sfence.sel $0xFFFF  }
0xc2: {  	[dreg:$0x0] =	wrdreg $0xFFFFFFFF;
	(pc) =	sbr.abs _section_cstart, $3  }
0xc3: {  	[dreg:$0x1] =	wrdreg $0xFFFFFFFF  }
0xc4: {  	_ =	task.clear_ibuf [dreg:s9], $0x2FFFF;
	_ =	strace $0x9FFFFFFF  }
0xc5: {  	(tm) =	ssettm $0x7FFFFFFF  }
tec
execute0_lowered:
.L_overlay_start_1:
0x0: {  	(tag) =	ssettag $0x1  }
0x1: {  	s11 =	rddreg [dreg:$0x0]  }
0x2: {  	s1 =	rddreg [dreg:$0x1]  }
0x3: {  	s12 =	rddreg [dreg:$0x2]  }
0x4: {  	s0 =	rddreg [dreg:$0x3];
	s3 =	simm.s32 $0x0;
	s4 =	srdreg.scid  }
0x5: {  	s2 =	stileid.u32;
	s20 =	simm.s32 $0x0;
	[smem:$0x7FF] =	sst s3  }
0x6: {  	s4 =	sand.u32 $0x1, s4;
	s6 =	sshll.u32 s2, $0x3;
	s9 =	sshll.u32 s2, $0x12  }
0x7: {  	s29 =	sshll.u32 s2, $0x5;
	_ =	strace $0x80000047;
	s5 =	ssub.s32 $0x2, s4  }
0x8: {  	s7 =	sshll.u32 s4, $0x2;
	s4 =	sshll.u32 s4, $0x9;
	s8 =	sshrl.u32 s5, $0x1  }
0x9: {  	s7 =	sor.u32 s7, s6;
	s4 =	sor.u32 s4, s9;
	s13 =	ssub.s32 s5, s8  }
0xa: {  	s26 =	sshrl.u32 s4, $0x3;
	s28 =	sor.u32 $0x1, s7;
	s14 =	sand.u32 $0xC, s7  }
0xb: {  	s5 =	sand.u32 $0x1C0, s29;
	s15 =	sor.u32 $0x2, s7;
	s17 =	sor.u32 $0x3, s7  }
0xc: {  	s4 =	sadd.s32 s11, s26;
	s10 =	sshll.u32 s28, $0x7;
	s6 =	sadd.s32 s12, s26  }
0xd: {  	s16 =	sshll.u32 s15, $0x7;
	s18 =	sshll.u32 s17, $0x7;
	s19 =	sand.u32 $0xD, s28  }
0xe: {  	s15 =	sand.u32 $0xE, s15;
	s17 =	sand.u32 $0xF, s17;
	s13 =	smax.u32 s13, $0x1  }
0xf: {  	v1 =	vmov s14;
	s14 =	simm.s32 $0x18000;
	s10 =	sand.u32 $0x280, s10;
	s16 =	sand.u32 $0x300, s16  }
0x10: {  	s18 =	sand.u32 $0x380, s18;
	v3 =	vmov s15;
	v5 =	vmov s17;
	s15 =	simm.s32 $0x1;
	s17 =	simm.s32 $0x400  }
0x11: {  	v2 =	vmov s19;
	s19 =	simm.s32 $0x10000;
	s10 =	sor.u32 s9, s10;
	s16 =	sor.u32 s9, s16  }
0x12: {  	s31 =	sor.u32 s9, s18;
	s18 =	simm.s32 $0x40000000;
	s10 =	sshrl.u32 s10, $0x3  }
0x13: {  	v4 =	vlaneseq.u32;
	s30 =	sshrl.u32 s16, $0x3;
	s16 =	sshrl.u32 s31, $0x3;
	s7 =	sadd.s32 s11, s10  }
0x14: {  	v0 =	vimm.s32 $0x0;
	vm0 =	veq.s32 v1, v4;
	s8 =	sadd.s32 s12, s10;
	s9 =	sadd.s32 s11, s30;
	s10 =	sadd.s32 s12, s30  }
0x15: {  	vm1 =	veq.s32 v2, v4;
	vm2 =	veq.s32 v3, v4;
	vm3 =	veq.s32 v5, v4;
	s11 =	sadd.s32 s11, s16;
	s12 =	sadd.s32 s12, s16;
	s16 =	simm.s32 $0x80  }
.LBB2_1:
0x16: {  	[tilespmem:s14], [sflag:$0x1] =	stream.linear.gather [hbm4b:s1+s3], $0x80, $0x38;
	[tilespmem:$0x18080] =	vst v63  }
0x17: {  	_ =	swait.ge [sflag:s15], $0x80  }
0x18: {  	[sflag:s15] =	ssyncset.done $0x0  }
0x19: {  	[sflag:s15] =	ssyncadd.s32 $0xFFFFFF80  }
0x1a: {  	[tilespmem:s3], [sflag:$0x1] =	stream.strided.gather [hbm4b:s4+s16], $0x8000, s17, s16, $0x38;
	[tilespmem:$0x18080] =	vst v63  }
0x1b: {  	_ =	swait.ge [sflag:s15], $0x8000  }
0x1c: {  	[sflag:s15] =	ssyncset.done $0x0  }
0x1d: {  	s21 =	sshrl.u32 s5, $0x2;
	[sflag:s15] =	ssyncadd.s32 $0xFFFF8000  }
0x1e: {  	s23 =	simm.s32 $0x0;
	v2 =	vld [tilespmem:s21+$0x18000]  }
0x1f: {  	v1 =	vimm.f32 $-Inf;
	s22 =	simm.s32 $0x40;
	v3 =	vld [tilespmem:s23+$0x0]  }
.LBB2_2:
0x20: {  	p0 =	sne.s32 s22, $0x1FFC0  }
.Ltmp0:
0x21: {  	_ = 	snop;
	(pc) =	sbr.rel @p0 .LBB2_2-.Ltmp0, $3  }
0x22: {  	_ =	sdelay $0x1  }
0x23: {  	s23 =	sshra.s32 s22, $0x2;
	s22 =	sadd.s32 $0x40, s22;
	v1 =	vmax.f32 v1, v3  }
0x24: {  	v3 =	vld [tilespmem:s23+$0x0]  }
0x25: {  	_ =	sdelay $0x3  }
0x26: {  	v1 =	vmax.f32 v1, v3  }
0x27: {  	(xrf0) =	vmax.scan.msk.f32 $0xffff, v1;
	_ =	sdelay $0x2  }
0x28: {  	s22 =	simm.s32 $0x0  }
0x29: {  	v3 =	vld [tilespmem:s22+$0x0];
	_ =	sdelay $0x1  }
0x2a: {  	v1, _, _ =	vpop (xrf0)  }
0x2b: {  	v1 =	vbroadcast v1, $0xF;
	_ =	sdelay $0x1  }
0x2c: {  	s24 =	simm.s32 $0x10;
	v4 =	vsub.f32 v3, v1  }
0x2d: {  	v5 =	vld [tilespmem:s24+$0x0]  }
0x2e: {  	v3 =	vmul.f32 $1.442695020e+00, v4  }
0x2f: {  	s23 =	simm.s32 $0x20  }
0x30: {  	v6 =	vld [tilespmem:s23+$0x0];
	(erf) = vpow2.f32 v3;
	_ =	sdelay $0x1  }
0x31: {  	v3 =	vsub.f32 v5, v1;
	_ =	sdelay $0x1  }
0x32: {  	vm4 =	veq.f32 v4, $0.0e+00;
	v9 =	vmul.f32 $1.442695020e+00, v3  }
0x33: {  	v8 =	vmpcnt.ones.xlane vm4;
	v5 =	vsub.f32 v6, v1;
	vm4 =	veq.f32 v3, $0.0e+00  }
0x34: {  	v7 =	vimm.s32 $0x0;
	v10 =	vmpcnt.ones.xlane vm4;
	(erf) = vpow2.f32 v9  }
0x35: {  	s25 =	simm.s32 $0x30;
	v6 =	vadd.s32 v7, v8;
	v9 =	vmul.f32 $1.442695020e+00, v5  }
0x36: {  	v6 =	vadd.s32 v6, v10;
	v10 =	vld [tilespmem:s25+$0x0]  }
0x37: {  	v8 =	vpop (erf);
	(erf) = vpow2.f32 v9  }
0x38: {  	vm4 =	veq.f32 v8, $0.0e+00  }
0x39: {  	vm5 =	veq.f32 v5, $0.0e+00;
	v11 =	vmpcnt.ones.xlane vm4;
	v12 =	vsel vm4, $0x3F800000, v0  }
0x3a: {  	s26 =	simm.s32 $0x100;
	v8 =	vmpcnt.ones.xlane vm5;
	v9 =	vsub.f32 $1.000000000e+00, v12  }
.LBB2_4:
0x3b: {  	v12 =	vsub.f32 v10, v1;
	v7 =	vadd.s32 v7, v11;
	s28 =	smov.u32 s25;
	s25 =	sshra.s32 s26, $0x2;
	p0 =	sne.s32 s26, $0x1FFC0  }
.Ltmp1:
0x3c: {  	s26 =	sadd.s32 $0x40, s26;
	v10 =	vld [tilespmem:s25+$0x0];
	v6 =	vadd.s32 v6, v8;
	v8 =	vmul.f32 v9, v4;
	v4 =	vmovc v3;
	v3 =	vmov v5;
	(pc) =	sbr.rel @p0 .LBB2_4-.Ltmp1, $4  }
0x3d: {  	v9 =	vmul.f32 $1.442695020e+00, v12;
	vm4 =	veq.f32 v12, $0.0e+00;
	v11 =	vpop (erf);
	v5 =	vmov v12  }
0x3e: {  	vm5 =	veq.f32 v11, $0.0e+00;
	vm6 =	vlt.s32 v8, $0x0;
	v12 =	vxor.u32 $0x7FFFFFFF, v8  }
0x3f: {  	v11 =	vmpcnt.ones.xlane vm5;
	v13 =	vsel vm5, $0x3F800000, v0;
	v12 =	vsel vm6, v12, v8  }
0x40: {  	v8 =	vmpcnt.ones.xlane vm4;
	(erf) = vpow2.f32 v9;
	v9 =	vsub.f32 $1.000000000e+00, v13;
	[tilespmem:s22+$0x8000] =	vst v12;
	s22 =	smov.u32 s24;
	s24 =	smov.u32 s23;
	s23 =	smov.u32 s28  }
0x41: {  	v10 =	vsub.f32 v10, v1;
	_ =	sdelay $0x1  }
0x42: {  	v12 =	vmul.f32 $1.442695020e+00, v10;
	_ =	sdelay $0x1  }
0x43: {  	(erf) = vpow2.f32 v12;
	_ =	sdelay $0x6  }
0x44: {  	v51 =	vpop (erf)  }
0x45: {  	vm4 =	veq.f32 v51, $0.0e+00;
	v52 =	vpop (erf)  }
0x46: {  	v13 =	vmpcnt.ones.xlane vm4;
	vm5 =	veq.f32 v52, $0.0e+00;
	v53 =	vpop (erf)  }
0x47: {  	v7 =	vadd.s32 v7, v11;
	v54 =	vmpcnt.ones.xlane vm5;
	vm6 =	veq.f32 v53, $0.0e+00  }
0x48: {  	v7 =	vadd.s32 v7, v13;
	v12 =	vmpcnt.ones.xlane vm6  }
0x49: {  	v7 =	vadd.s32 v7, v54  }
0x4a: {  	v7 =	vadd.s32 v7, v12  }
0x4b: {  	v7 =	vcvt.s32.f32 v7;
	_ =	sdelay $0x1  }
0x4c: {  	v7 =	vmul.f32 $3.051757810e-05, v7;
	_ =	sdelay $0x1  }
0x4d: {  	v2 =	vnsel vm0, $0xFF800000, v2;
	v55 =	vsub.f32 $1.000000000e+00, v7  }
0x4e: {  	(xrf0) =	vmax.scan.msk.f32 $0xffff, v2  }
0x4f: {  	(erf) = vrcp.f32 v55;
	_ =	sdelay $0x4  }
0x50: {  	v2, _, _ =	vpop (xrf0)  }
0x51: {  	v2 =	vbroadcast v2, $0xF;
	_ =	sdelay $0x1  }
0x52: {  	v58 =	vsel vm5, $0x3F800000, v0;
	vm5 =	veq.f32 v10, $0.0e+00;
	v2 =	vsub.f32 v2, v7  }
0x53: {  	v4 =	vmul.f32 v9, v4;
	v6 =	vadd.s32 v6, v8;
	v60 =	vmpcnt.ones.xlane vm5;
	v57 =	vpop (erf)  }
0x54: {  	v59 =	vsub.f32 $1.000000000e+00, v58;
	v7 =	vsel vm4, $0x3F800000, v0;
	v2 =	vmul.f32 v57, v2  }
0x55: {  	v56 =	vxor.u32 $0x7FFFFFFF, v4;
	v6 =	vadd.s32 v6, v60;
	v7 =	vsub.f32 $1.000000000e+00, v7  }
0x56: {  	v5 =	vmul.f32 v59, v5;
	v6 =	vsub.s32 $0x8000, v6;
	v2 =	vmax.f32 v2, $0.0e+00  }
0x57: {  	v3 =	vmul.f32 v7, v3;
	v7 =	vsel vm6, $0x3F800000, v0;
	v2 =	vmin.f32 v2, $1.000000000e+00  }
0x58: {  	vm4 =	vlt.s32 v4, $0x0;
	v7 =	vsub.f32 $1.000000000e+00, v7;
	v2 =	vmul.f32 $3.276700000e+04, v2  }
0x59: {  	vm5 =	vlt.s32 v5, $0x0;
	v4 =	vsel vm4, v56, v4;
	vm4 =	vlt.s32 v3, $0x0  }
0x5a: {  	v61 =	vxor.u32 $0x7FFFFFFF, v3;
	v7 =	vmul.f32 v7, v10;
	v63 =	vtrunc.f32 v2  }
0x5b: {  	v62 =	vxor.u32 $0x7FFFFFFF, v5;
	[tilespmem:s22+$0x8000] =	vst v4;
	v4 =	vsel vm4, v61, v3;
	v3 =	vcvt.f32.s32 v63  }
0x5c: {  	v5 =	vsel vm5, v62, v5;
	[tilespmem:s24+$0x8000] =	vst v4;
	vm4 =	vlt.s32 v7, $0x0;
	v4 =	vxor.u32 $0x7FFFFFFF, v7  }
0x5d: {  	[tilespmem:s23+$0x8000] =	vst v5;
	v4 =	vsel vm4, v4, v7;
	vm4 =	vgt.s32 v6, v3  }
0x5e: {  	s22 =	simm.s32 $0x0;
	[tilespmem:s25+$0x8000] =	vst v4;
	v4 =	vsel vm4, $0x80000000, v0  }
.LBB2_6:
0x5f: {  	s23 =	sshrl.u32 s18, s22;
	s24 =	simm.s32 $0x0  }
0x60: {  	v6 =	vimm.s32 $0x0;
	v5 =	vadd.s32 s23, v4;
	s23 =	simm.s32 $0x40;
	v7 =	vld [tilespmem:s24+$0x8000]  }
.LBB2_7:
0x61: {  	_ =	sdelay $0x1  }
0x62: {  	p0 =	sne.s32 s23, $0x1FFC0  }
.Ltmp2:
0x63: {  	_ = 	snop;
	(pc) =	sbr.rel @p0 .LBB2_7-.Ltmp2, $4  }
0x64: {  	vm4 =	vlt.s32 v7, v5  }
0x65: {  	v8 =	vmpcnt.ones.xlane vm4  }
0x66: {  	s24 =	sshra.s32 s23, $0x2  }
0x67: {  	s23 =	sadd.s32 $0x40, s23;
	v7 =	vld [tilespmem:s24+$0x8000];
	v6 =	vadd.s32 v6, v8  }
0x68: {  	_ =	sdelay $0x2  }
0x69: {  	s22 =	sadd.s32 $0x1, s22  }
0x6a: {  	p0 =	seq.s32 s22, $0x13;
	vm4 =	vlt.s32 v7, v5  }
.Ltmp3:
0x6b: {  	v7 =	vmpcnt.ones.xlane vm4;
	(pc) =	sbr.rel @!p0 .LBB2_6-.Ltmp3, $4  }
0x6c: {  	_ = 	snop  }
0x6d: {  	v6 =	vadd.s32 v6, v7  }
0x6e: {  	vm4 =	vgt.s32 v6, v3  }
0x6f: {  	v4 =	vsel vm4, v4, v5  }
0x70: {  	s23 =	simm.s32 $0x0  }
0x71: {  	v7 =	vadd.s32 $0x1000, v4;
	v5 =	vimm.s32 $0x0;
	v6 =	vimm.s32 $0x7FFFFFFF;
	s22 =	simm.s32 $0x40;
	v8 =	vld [tilespmem:s23+$0x8000]  }
.LBB2_10:
0x72: {  	_ =	sdelay $0x1  }
0x73: {  	p0 =	sne.s32 s22, $0x1FFC0  }
.Ltmp4:
0x74: {  	_ = 	snop;
	(pc) =	sbr.rel @p0 .LBB2_10-.Ltmp4, $4  }
0x75: {  	vm4 =	vlt.s32 v8, v7  }
0x76: {  	v9 =	vmpcnt.ones.xlane vm4;
	v10 =	vsel vm4, $0x7FFFFFFF, v8  }
0x77: {  	s23 =	sshra.s32 s22, $0x2;
	vm4 =	vlt.s32 v6, v10  }
0x78: {  	s22 =	sadd.s32 $0x40, s22;
	v8 =	vld [tilespmem:s23+$0x8000];
	v5 =	vadd.s32 v5, v9;
	v6 =	vsel vm4, v6, v10  }
0x79: {  	_ =	sdelay $0x3  }
0x7a: {  	vm4 =	vlt.s32 v8, v7  }
0x7b: {  	v7 =	vsel vm4, $0x7FFFFFFF, v8  }
0x7c: {  	vm5 =	vlt.s32 v6, v7  }
0x7d: {  	v6 =	vsel vm5, v6, v7  }
0x7e: {  	v6 =	vxor.u32 $0x80000000, v6  }
0x7f: {  	(xrf0) =	vmin.scan.msk.u32 $0xffff, v6;
	_ =	sdelay $0x5  }
0x80: {  	v6, _, _ =	vpop (xrf0)  }
0x81: {  	(v2sf) =	vpush v6, $0xF;
	_ =	sdelay $0xe  }
0x82: {  	s22 =	spop (v2sf)  }
0x83: {  	s22 =	sxor.u32 $0x80000000, s22  }
0x84: {  	v6 =	vmpcnt.ones.xlane vm4;
	v7 =	vmov s22  }
0x85: {  	v8 =	vcvt.s32.f32 v3;
	v7 =	vand.u32 $0xFFFFF000, v7  }
0x86: {  	v3 =	vadd.s32 $0x2, v3;
	v5 =	vadd.s32 v5, v6;
	v6 =	vbroadcast v7, $0x0  }
0x87: {  	vm4 =	vlt.s32 v5, v3;
	s22 =	simm.s32 $0x0  }
0x88: {  	v3 =	vsel vm4, v6, v4;
	v6 =	vld [tilespmem:s22+$0x0]  }
0x89: {  	v2 =	vsub.f32 v2, v8;
	v5 =	vxor.u32 $0x7FFFFFFF, v4;
	vm4 =	vlt.s32 v4, $0x0  }
0x8a: {  	v4 =	vsel vm4, v5, v4;
	vm4 =	vlt.s32 v3, $0x0;
	v5 =	vxor.u32 $0x7FFFFFFF, v3  }
0x8b: {  	s23 =	simm.s32 $0x10;
	v3 =	vsel vm4, v5, v3;
	vm4 =	vgt.f32 v2, $0.0e+00;
	v5 =	vsub.f32 $1.000000000e+00, v2  }
0x8c: {  	v7 =	vld [tilespmem:s23+$0x0];
	v3 =	vsel vm4, v3, v4  }
0x8d: {  	v4 =	vmul.f32 v4, v5;
	v2 =	vmul.f32 v3, v2;
	v6 =	vsub.f32 v6, v1;
	_ =	sdelay $0x1  }
0x8e: {  	v2 =	vadd.f32 v2, v4;
	v4 =	vmul.f32 $1.442695020e+00, v6;
	_ =	sdelay $0x1  }
0x8f: {  	v3 =	vsub.f32 v7, v1;
	(erf) = vpow2.f32 v4;
	_ =	sdelay $0x1  }
0x90: {  	s24 =	simm.s32 $0x20;
	v7 =	vmul.f32 $1.442695020e+00, v3  }
0x91: {  	v5 =	vld [tilespmem:s24+$0x0]  }
0x92: {  	(erf) = vpow2.f32 v7  }
0x93: {  	v2 =	vsub.f32 $9.999999930e-09, v2;
	_ =	sdelay $0x1  }
0x94: {  	s25 =	simm.s32 $0xC0;
	v4 =	vimm.f32 $0.0e+00;
	v6 =	vadd.f32 v6, v2  }
.LBB2_12:
0x95: {  	s26 =	sshra.s32 s25, $0x2;
	p0 =	sne.s32 s25, $0x1FFC0;
	s25 =	sadd.s32 $0x40, s25;
	v7 =	vsub.f32 v5, v1  }
.Ltmp5:
0x96: {  	v5 =	vld [tilespmem:s26+$0x0];
	v6 =	vmax.f32 v6, $0.0e+00;
	v8 =	vpop (erf);
	(pc) =	sbr.rel @p0 .LBB2_12-.Ltmp5, $3  }
0x97: {  	v9 =	vmul.f32 $1.442695020e+00, v7;
	v6 =	vmul.f32 v6, v8;
	_ =	sdelay $0x1  }
0x98: {  	(erf) = vpow2.f32 v9;
	[tilespmem:s22+$0x10000] =	vst v6;
	v4 =	vadd.f32 v6, v4;
	s22 =	smov.u32 s23;
	s23 =	smov.u32 s24;
	s24 =	smov.u32 s26  }
0x99: {  	v6 =	vadd.f32 v3, v2;
	v3 =	vmov v7  }
0x9a: {  	v1 =	vsub.f32 v5, v1;
	_ =	sdelay $0x1  }
0x9b: {  	v5 =	vmul.f32 $1.442695020e+00, v1;
	_ =	sdelay $0x1  }
0x9c: {  	(erf) = vpow2.f32 v5;
	_ =	sdelay $0x4  }
0x9d: {  	v61 =	vpop (erf);
	v3 =	vadd.f32 v3, v2;
	v6 =	vmax.f32 v6, $0.0e+00  }
0x9e: {  	v5 =	vmul.f32 v6, v61  }
0x9f: {  	v3 =	vmax.f32 v3, $0.0e+00;
	v1 =	vadd.f32 v1, v2;
	v62 =	vpop (erf)  }
0xa0: {  	v2 =	vadd.f32 v5, v4;
	v3 =	vmul.f32 v3, v62  }
0xa1: {  	v1 =	vmax.f32 v1, $0.0e+00;
	v63 =	vpop (erf)  }
0xa2: {  	v2 =	vadd.f32 v3, v2;
	v1 =	vmul.f32 v1, v63;
	_ =	sdelay $0x1  }
0xa3: {  	v2 =	vadd.f32 v1, v2;
	_ =	sdelay $0x1  }
0xa4: {  	(xrf2) =	vadd.scan.msk.f32 $0xffff, v2;
	_ =	sdelay $0x9  }
0xa5: {  	v2, _, _ =	vpop (xrf2)  }
0xa6: {  	v2 =	vbroadcast v2, $0xF;
	_ =	sdelay $0x1  }
0xa7: {  	(erf) = vrcp.f32 v2;
	_ =	sdelay $0x6  }
0xa8: {  	[tilespmem:s22+$0x10000] =	vst v5  }
0xa9: {  	[tilespmem:s23+$0x10000] =	vst v3  }
0xaa: {  	s22 =	simm.s32 $0x0;
	s23 =	simm.s32 $0x40;
	[tilespmem:s24+$0x10000] =	vst v1;
	v1 =	vpop (erf)  }
.LBB2_14:
0xab: {  	p0 =	sne.s32 s23, $0x1FFC0;
	v2 =	vld [tilespmem:s22+$0x10000];
	_ =	sdelay $0x2  }
.Ltmp6:
0xac: {  	(pc) =	sbr.rel @p0 .LBB2_14-.Ltmp6, $3  }
0xad: {  	_ = 	snop  }
0xae: {  	v2 =	vmul.f32 v2, v1;
	_ =	sdelay $0x1  }
0xaf: {  	[tilespmem:s22+$0x10000] =	vst v2;
	s22 =	sshra.s32 s23, $0x2;
	s23 =	sadd.s32 $0x40, s23  }
0xb0: {  	v2 =	vld [tilespmem:s22+$0x10000];
	_ =	sdelay $0x4  }
0xb1: {  	v1 =	vmul.f32 v2, v1;
	_ =	sdelay $0x1  }
0xb2: {  	[tilespmem:s22+$0x10000] =	vst v1  }
0xb3: {  	[hbm4b:s6+s16] =	stream.strided.scatter [tilespmem:s19], [sflag:$0x1], $0x8000, s17, s16, $0x38;
	[tilespmem:$0x18080] =	vst v63  }
0xb4: {  	_ =	swait.ge [sflag:s15], $0x8000  }
0xb5: {  	[sflag:s15] =	ssyncset.done $0x0  }
0xb6: {  	s31 =	simm.s32 $0x0;
	[sflag:s15] =	ssyncadd.s32 $0xFFFF8000  }
0xb7: {  	[tilespmem:s31], [sflag:$0x1] =	stream.strided.gather [hbm4b:s7+s16], $0x8000, s17, s16, $0x38;
	[tilespmem:$0x18080] =	vst v63  }
0xb8: {  	_ =	swait.ge [sflag:s15], $0x8000  }
0xb9: {  	[sflag:s15] =	ssyncset.done $0x0  }
0xba: {  	[sflag:s15] =	ssyncadd.s32 $0xFFFF8000  }
0xbb: {  	s23 =	simm.s32 $0x0;
	v2 =	vld [tilespmem:s21+$0x18000]  }
0xbc: {  	v1 =	vimm.f32 $-Inf;
	s22 =	simm.s32 $0x40;
	v3 =	vld [tilespmem:s23+$0x0]  }
.LBB2_16:
0xbd: {  	p0 =	sne.s32 s22, $0x1FFC0  }
.Ltmp7:
0xbe: {  	_ = 	snop;
	(pc) =	sbr.rel @p0 .LBB2_16-.Ltmp7, $3  }
0xbf: {  	_ =	sdelay $0x1  }
0xc0: {  	s23 =	sshra.s32 s22, $0x2;
	s22 =	sadd.s32 $0x40, s22;
	v1 =	vmax.f32 v1, v3  }
0xc1: {  	v3 =	vld [tilespmem:s23+$0x0]  }
0xc2: {  	_ =	sdelay $0x3  }
0xc3: {  	v1 =	vmax.f32 v1, v3  }
0xc4: {  	(xrf0) =	vmax.scan.msk.f32 $0xffff, v1;
	_ =	sdelay $0x2  }
0xc5: {  	s22 =	simm.s32 $0x0  }
0xc6: {  	v3 =	vld [tilespmem:s22+$0x0];
	_ =	sdelay $0x1  }
0xc7: {  	v1, _, _ =	vpop (xrf0)  }
0xc8: {  	v1 =	vbroadcast v1, $0xF;
	_ =	sdelay $0x1  }
0xc9: {  	s24 =	simm.s32 $0x10;
	v4 =	vsub.f32 v3, v1  }
0xca: {  	v5 =	vld [tilespmem:s24+$0x0]  }
0xcb: {  	v3 =	vmul.f32 $1.442695020e+00, v4  }
0xcc: {  	s23 =	simm.s32 $0x20  }
0xcd: {  	v6 =	vld [tilespmem:s23+$0x0];
	(erf) = vpow2.f32 v3;
	_ =	sdelay $0x1  }
0xce: {  	v3 =	vsub.f32 v5, v1;
	_ =	sdelay $0x1  }
0xcf: {  	vm4 =	veq.f32 v4, $0.0e+00;
	v9 =	vmul.f32 $1.442695020e+00, v3  }
0xd0: {  	v8 =	vmpcnt.ones.xlane vm4;
	v5 =	vsub.f32 v6, v1;
	vm4 =	veq.f32 v3, $0.0e+00  }
0xd1: {  	v7 =	vimm.s32 $0x0;
	v10 =	vmpcnt.ones.xlane vm4;
	(erf) = vpow2.f32 v9  }
0xd2: {  	s25 =	simm.s32 $0x30;
	v6 =	vadd.s32 v7, v8;
	v9 =	vmul.f32 $1.442695020e+00, v5  }
0xd3: {  	v6 =	vadd.s32 v6, v10;
	v10 =	vld [tilespmem:s25+$0x0]  }
0xd4: {  	v8 =	vpop (erf);
	(erf) = vpow2.f32 v9  }
0xd5: {  	vm4 =	veq.f32 v8, $0.0e+00  }
0xd6: {  	vm5 =	veq.f32 v5, $0.0e+00;
	v11 =	vmpcnt.ones.xlane vm4;
	v12 =	vsel vm4, $0x3F800000, v0  }
0xd7: {  	s26 =	simm.s32 $0x100;
	v8 =	vmpcnt.ones.xlane vm5;
	v9 =	vsub.f32 $1.000000000e+00, v12  }
.LBB2_18:
0xd8: {  	v12 =	vsub.f32 v10, v1;
	v7 =	vadd.s32 v7, v11;
	s28 =	smov.u32 s25;
	s25 =	sshra.s32 s26, $0x2;
	p0 =	sne.s32 s26, $0x1FFC0  }
.Ltmp8:
0xd9: {  	s26 =	sadd.s32 $0x40, s26;
	v10 =	vld [tilespmem:s25+$0x0];
	v6 =	vadd.s32 v6, v8;
	v8 =	vmul.f32 v9, v4;
	v4 =	vmovc v3;
	v3 =	vmov v5;
	(pc) =	sbr.rel @p0 .LBB2_18-.Ltmp8, $4  }
0xda: {  	v9 =	vmul.f32 $1.442695020e+00, v12;
	vm4 =	veq.f32 v12, $0.0e+00;
	v11 =	vpop (erf);
	v5 =	vmov v12  }
0xdb: {  	vm5 =	veq.f32 v11, $0.0e+00;
	vm6 =	vlt.s32 v8, $0x0;
	v12 =	vxor.u32 $0x7FFFFFFF, v8  }
0xdc: {  	v11 =	vmpcnt.ones.xlane vm5;
	v13 =	vsel vm5, $0x3F800000, v0;
	v12 =	vsel vm6, v12, v8  }
0xdd: {  	v8 =	vmpcnt.ones.xlane vm4;
	(erf) = vpow2.f32 v9;
	v9 =	vsub.f32 $1.000000000e+00, v13;
	[tilespmem:s22+$0x8000] =	vst v12;
	s22 =	smov.u32 s24;
	s24 =	smov.u32 s23;
	s23 =	smov.u32 s28  }
0xde: {  	v10 =	vsub.f32 v10, v1;
	_ =	sdelay $0x1  }
0xdf: {  	v12 =	vmul.f32 $1.442695020e+00, v10;
	_ =	sdelay $0x1  }
0xe0: {  	(erf) = vpow2.f32 v12;
	_ =	sdelay $0x6  }
0xe1: {  	v51 =	vpop (erf)  }
0xe2: {  	vm4 =	veq.f32 v51, $0.0e+00;
	v52 =	vpop (erf)  }
0xe3: {  	v13 =	vmpcnt.ones.xlane vm4;
	vm5 =	veq.f32 v52, $0.0e+00;
	v53 =	vpop (erf)  }
0xe4: {  	v7 =	vadd.s32 v7, v11;
	v54 =	vmpcnt.ones.xlane vm5;
	vm6 =	veq.f32 v53, $0.0e+00  }
0xe5: {  	v7 =	vadd.s32 v7, v13;
	v12 =	vmpcnt.ones.xlane vm6  }
0xe6: {  	v7 =	vadd.s32 v7, v54  }
0xe7: {  	v7 =	vadd.s32 v7, v12  }
0xe8: {  	v7 =	vcvt.s32.f32 v7;
	_ =	sdelay $0x1  }
0xe9: {  	v7 =	vmul.f32 $3.051757810e-05, v7;
	_ =	sdelay $0x1  }
0xea: {  	v2 =	vnsel vm1, $0xFF800000, v2;
	v55 =	vsub.f32 $1.000000000e+00, v7  }
0xeb: {  	(xrf0) =	vmax.scan.msk.f32 $0xffff, v2  }
0xec: {  	(erf) = vrcp.f32 v55;
	_ =	sdelay $0x4  }
0xed: {  	v2, _, _ =	vpop (xrf0)  }
0xee: {  	v2 =	vbroadcast v2, $0xF;
	_ =	sdelay $0x1  }
0xef: {  	v58 =	vsel vm5, $0x3F800000, v0;
	vm5 =	veq.f32 v10, $0.0e+00;
	v2 =	vsub.f32 v2, v7  }
0xf0: {  	v4 =	vmul.f32 v9, v4;
	v6 =	vadd.s32 v6, v8;
	v60 =	vmpcnt.ones.xlane vm5;
	v57 =	vpop (erf)  }
0xf1: {  	v59 =	vsub.f32 $1.000000000e+00, v58;
	v7 =	vsel vm4, $0x3F800000, v0;
	v2 =	vmul.f32 v57, v2  }
0xf2: {  	v56 =	vxor.u32 $0x7FFFFFFF, v4;
	v6 =	vadd.s32 v6, v60;
	v7 =	vsub.f32 $1.000000000e+00, v7  }
0xf3: {  	v5 =	vmul.f32 v59, v5;
	v6 =	vsub.s32 $0x8000, v6;
	v2 =	vmax.f32 v2, $0.0e+00  }
0xf4: {  	v3 =	vmul.f32 v7, v3;
	v7 =	vsel vm6, $0x3F800000, v0;
	v2 =	vmin.f32 v2, $1.000000000e+00  }
0xf5: {  	vm4 =	vlt.s32 v4, $0x0;
	v7 =	vsub.f32 $1.000000000e+00, v7;
	v2 =	vmul.f32 $3.276700000e+04, v2  }
0xf6: {  	vm5 =	vlt.s32 v5, $0x0;
	v4 =	vsel vm4, v56, v4;
	vm4 =	vlt.s32 v3, $0x0  }
0xf7: {  	v61 =	vxor.u32 $0x7FFFFFFF, v3;
	v7 =	vmul.f32 v7, v10;
	v63 =	vtrunc.f32 v2  }
0xf8: {  	v62 =	vxor.u32 $0x7FFFFFFF, v5;
	[tilespmem:s22+$0x8000] =	vst v4;
	v4 =	vsel vm4, v61, v3;
	v3 =	vcvt.f32.s32 v63  }
0xf9: {  	v5 =	vsel vm5, v62, v5;
	[tilespmem:s24+$0x8000] =	vst v4;
	vm4 =	vlt.s32 v7, $0x0;
	v4 =	vxor.u32 $0x7FFFFFFF, v7  }
0xfa: {  	[tilespmem:s23+$0x8000] =	vst v5;
	v4 =	vsel vm4, v4, v7;
	vm4 =	vgt.s32 v6, v3  }
0xfb: {  	s22 =	simm.s32 $0x0;
	[tilespmem:s25+$0x8000] =	vst v4;
	v4 =	vsel vm4, $0x80000000, v0  }
.LBB2_20:
0xfc: {  	s23 =	sshrl.u32 s18, s22;
	s24 =	simm.s32 $0x0  }
0xfd: {  	v6 =	vimm.s32 $0x0;
	v5 =	vadd.s32 s23, v4;
	s23 =	simm.s32 $0x40;
	v7 =	vld [tilespmem:s24+$0x8000]  }
.LBB2_21:
0xfe: {  	_ =	sdelay $0x1  }
0xff: {  	p0 =	sne.s32 s23, $0x1FFC0  }
.Ltmp9:
0x100: {  	_ = 	snop;
	(pc) =	sbr.rel @p0 .LBB2_21-.Ltmp9, $4  }
0x101: {  	vm4 =	vlt.s32 v7, v5  }
0x102: {  	v8 =	vmpcnt.ones.xlane vm4  }
0x103: {  	s24 =	sshra.s32 s23, $0x2  }
0x104: {  	s23 =	sadd.s32 $0x40, s23;
	v7 =	vld [tilespmem:s24+$0x8000];
	v6 =	vadd.s32 v6, v8  }
0x105: {  	_ =	sdelay $0x2  }
0x106: {  	s22 =	sadd.s32 $0x1, s22  }
0x107: {  	p0 =	seq.s32 s22, $0x13;
	vm4 =	vlt.s32 v7, v5  }
.Ltmp10:
0x108: {  	v7 =	vmpcnt.ones.xlane vm4;
	(pc) =	sbr.rel @!p0 .LBB2_20-.Ltmp10, $4  }
0x109: {  	_ = 	snop  }
0x10a: {  	v6 =	vadd.s32 v6, v7  }
0x10b: {  	vm4 =	vgt.s32 v6, v3  }
0x10c: {  	v4 =	vsel vm4, v4, v5  }
0x10d: {  	s23 =	simm.s32 $0x0  }
0x10e: {  	v7 =	vadd.s32 $0x1000, v4;
	v5 =	vimm.s32 $0x0;
	v6 =	vimm.s32 $0x7FFFFFFF;
	s22 =	simm.s32 $0x40;
	v8 =	vld [tilespmem:s23+$0x8000]  }
.LBB2_24:
0x10f: {  	_ =	sdelay $0x1  }
0x110: {  	p0 =	sne.s32 s22, $0x1FFC0  }
.Ltmp11:
0x111: {  	_ = 	snop;
	(pc) =	sbr.rel @p0 .LBB2_24-.Ltmp11, $4  }
0x112: {  	vm4 =	vlt.s32 v8, v7  }
0x113: {  	v9 =	vmpcnt.ones.xlane vm4;
	v10 =	vsel vm4, $0x7FFFFFFF, v8  }
0x114: {  	s23 =	sshra.s32 s22, $0x2;
	vm4 =	vlt.s32 v6, v10  }
0x115: {  	s22 =	sadd.s32 $0x40, s22;
	v8 =	vld [tilespmem:s23+$0x8000];
	v5 =	vadd.s32 v5, v9;
	v6 =	vsel vm4, v6, v10  }
0x116: {  	_ =	sdelay $0x3  }
0x117: {  	vm4 =	vlt.s32 v8, v7  }
0x118: {  	v7 =	vsel vm4, $0x7FFFFFFF, v8  }
0x119: {  	vm5 =	vlt.s32 v6, v7  }
0x11a: {  	v6 =	vsel vm5, v6, v7  }
0x11b: {  	v6 =	vxor.u32 $0x80000000, v6  }
0x11c: {  	(xrf0) =	vmin.scan.msk.u32 $0xffff, v6;
	_ =	sdelay $0x5  }
0x11d: {  	v6, _, _ =	vpop (xrf0)  }
0x11e: {  	(v2sf) =	vpush v6, $0xF;
	_ =	sdelay $0xe  }
0x11f: {  	s22 =	spop (v2sf)  }
0x120: {  	s22 =	sxor.u32 $0x80000000, s22  }
0x121: {  	v6 =	vmpcnt.ones.xlane vm4;
	v7 =	vmov s22  }
0x122: {  	v8 =	vcvt.s32.f32 v3;
	v7 =	vand.u32 $0xFFFFF000, v7  }
0x123: {  	v3 =	vadd.s32 $0x2, v3;
	v5 =	vadd.s32 v5, v6;
	v6 =	vbroadcast v7, $0x0  }
0x124: {  	vm4 =	vlt.s32 v5, v3;
	s22 =	simm.s32 $0x0  }
0x125: {  	v3 =	vsel vm4, v6, v4;
	v6 =	vld [tilespmem:s22+$0x0]  }
0x126: {  	v2 =	vsub.f32 v2, v8;
	v5 =	vxor.u32 $0x7FFFFFFF, v4;
	vm4 =	vlt.s32 v4, $0x0  }
0x127: {  	v4 =	vsel vm4, v5, v4;
	vm4 =	vlt.s32 v3, $0x0;
	v5 =	vxor.u32 $0x7FFFFFFF, v3  }
0x128: {  	s23 =	simm.s32 $0x10;
	v3 =	vsel vm4, v5, v3;
	vm4 =	vgt.f32 v2, $0.0e+00;
	v5 =	vsub.f32 $1.000000000e+00, v2  }
0x129: {  	v7 =	vld [tilespmem:s23+$0x0];
	v3 =	vsel vm4, v3, v4  }
0x12a: {  	v4 =	vmul.f32 v4, v5;
	v2 =	vmul.f32 v3, v2;
	v6 =	vsub.f32 v6, v1;
	_ =	sdelay $0x1  }
0x12b: {  	v2 =	vadd.f32 v2, v4;
	v4 =	vmul.f32 $1.442695020e+00, v6;
	_ =	sdelay $0x1  }
0x12c: {  	v3 =	vsub.f32 v7, v1;
	(erf) = vpow2.f32 v4;
	_ =	sdelay $0x1  }
0x12d: {  	s24 =	simm.s32 $0x20;
	v7 =	vmul.f32 $1.442695020e+00, v3  }
0x12e: {  	v5 =	vld [tilespmem:s24+$0x0]  }
0x12f: {  	(erf) = vpow2.f32 v7  }
0x130: {  	v2 =	vsub.f32 $9.999999930e-09, v2;
	_ =	sdelay $0x1  }
0x131: {  	s25 =	simm.s32 $0xC0;
	v4 =	vimm.f32 $0.0e+00;
	v6 =	vadd.f32 v6, v2  }
.LBB2_26:
0x132: {  	s26 =	sshra.s32 s25, $0x2;
	p0 =	sne.s32 s25, $0x1FFC0;
	s25 =	sadd.s32 $0x40, s25;
	v7 =	vsub.f32 v5, v1  }
.Ltmp12:
0x133: {  	v5 =	vld [tilespmem:s26+$0x0];
	v6 =	vmax.f32 v6, $0.0e+00;
	v8 =	vpop (erf);
	(pc) =	sbr.rel @p0 .LBB2_26-.Ltmp12, $3  }
0x134: {  	v9 =	vmul.f32 $1.442695020e+00, v7;
	v6 =	vmul.f32 v6, v8;
	_ =	sdelay $0x1  }
0x135: {  	(erf) = vpow2.f32 v9;
	[tilespmem:s22+$0x10000] =	vst v6;
	v4 =	vadd.f32 v6, v4;
	s22 =	smov.u32 s23;
	s23 =	smov.u32 s24;
	s24 =	smov.u32 s26  }
0x136: {  	v6 =	vadd.f32 v3, v2;
	v3 =	vmov v7  }
0x137: {  	v1 =	vsub.f32 v5, v1;
	_ =	sdelay $0x1  }
0x138: {  	v5 =	vmul.f32 $1.442695020e+00, v1;
	_ =	sdelay $0x1  }
0x139: {  	(erf) = vpow2.f32 v5;
	_ =	sdelay $0x4  }
0x13a: {  	v61 =	vpop (erf);
	v3 =	vadd.f32 v3, v2;
	v6 =	vmax.f32 v6, $0.0e+00  }
0x13b: {  	v5 =	vmul.f32 v6, v61  }
0x13c: {  	v3 =	vmax.f32 v3, $0.0e+00;
	v1 =	vadd.f32 v1, v2;
	v62 =	vpop (erf)  }
0x13d: {  	v2 =	vadd.f32 v5, v4;
	v3 =	vmul.f32 v3, v62  }
0x13e: {  	v1 =	vmax.f32 v1, $0.0e+00;
	v63 =	vpop (erf)  }
0x13f: {  	v2 =	vadd.f32 v3, v2;
	v1 =	vmul.f32 v1, v63;
	_ =	sdelay $0x1  }
0x140: {  	v2 =	vadd.f32 v1, v2;
	_ =	sdelay $0x1  }
0x141: {  	(xrf2) =	vadd.scan.msk.f32 $0xffff, v2;
	_ =	sdelay $0x9  }
0x142: {  	v2, _, _ =	vpop (xrf2)  }
0x143: {  	v2 =	vbroadcast v2, $0xF;
	_ =	sdelay $0x1  }
0x144: {  	(erf) = vrcp.f32 v2;
	_ =	sdelay $0x6  }
0x145: {  	[tilespmem:s22+$0x10000] =	vst v5  }
0x146: {  	[tilespmem:s23+$0x10000] =	vst v3  }
0x147: {  	s22 =	simm.s32 $0x0;
	s23 =	simm.s32 $0x40;
	[tilespmem:s24+$0x10000] =	vst v1;
	v1 =	vpop (erf)  }
.LBB2_28:
0x148: {  	p0 =	sne.s32 s23, $0x1FFC0;
	v2 =	vld [tilespmem:s22+$0x10000];
	_ =	sdelay $0x2  }
.Ltmp13:
0x149: {  	(pc) =	sbr.rel @p0 .LBB2_28-.Ltmp13, $3  }
0x14a: {  	_ = 	snop  }
0x14b: {  	v2 =	vmul.f32 v2, v1;
	_ =	sdelay $0x1  }
0x14c: {  	[tilespmem:s22+$0x10000] =	vst v2;
	s22 =	sshra.s32 s23, $0x2;
	s23 =	sadd.s32 $0x40, s23  }
0x14d: {  	v2 =	vld [tilespmem:s22+$0x10000];
	_ =	sdelay $0x4  }
0x14e: {  	v1 =	vmul.f32 v2, v1;
	_ =	sdelay $0x1  }
0x14f: {  	[tilespmem:s22+$0x10000] =	vst v1  }
0x150: {  	[hbm4b:s8+s16] =	stream.strided.scatter [tilespmem:s19], [sflag:$0x1], $0x8000, s17, s16, $0x38;
	[tilespmem:$0x18080] =	vst v63  }
0x151: {  	_ =	swait.ge [sflag:s15], $0x8000  }
0x152: {  	[sflag:s15] =	ssyncset.done $0x0  }
0x153: {  	s31 =	simm.s32 $0x0;
	[sflag:s15] =	ssyncadd.s32 $0xFFFF8000  }
0x154: {  	[tilespmem:s31], [sflag:$0x1] =	stream.strided.gather [hbm4b:s9+s16], $0x8000, s17, s16, $0x38;
	[tilespmem:$0x18080] =	vst v63  }
0x155: {  	_ =	swait.ge [sflag:s15], $0x8000  }
0x156: {  	[sflag:s15] =	ssyncset.done $0x0  }
0x157: {  	[sflag:s15] =	ssyncadd.s32 $0xFFFF8000  }
0x158: {  	s23 =	simm.s32 $0x0;
	v2 =	vld [tilespmem:s21+$0x18000]  }
0x159: {  	v1 =	vimm.f32 $-Inf;
	s22 =	simm.s32 $0x40;
	v3 =	vld [tilespmem:s23+$0x0]  }
.LBB2_30:
0x15a: {  	p0 =	sne.s32 s22, $0x1FFC0  }
.Ltmp14:
0x15b: {  	_ = 	snop;
	(pc) =	sbr.rel @p0 .LBB2_30-.Ltmp14, $3  }
0x15c: {  	_ =	sdelay $0x1  }
0x15d: {  	s23 =	sshra.s32 s22, $0x2;
	s22 =	sadd.s32 $0x40, s22;
	v1 =	vmax.f32 v1, v3  }
0x15e: {  	v3 =	vld [tilespmem:s23+$0x0]  }
0x15f: {  	_ =	sdelay $0x3  }
0x160: {  	v1 =	vmax.f32 v1, v3  }
0x161: {  	(xrf0) =	vmax.scan.msk.f32 $0xffff, v1;
	_ =	sdelay $0x2  }
0x162: {  	s22 =	simm.s32 $0x0  }
0x163: {  	v3 =	vld [tilespmem:s22+$0x0];
	_ =	sdelay $0x1  }
0x164: {  	v1, _, _ =	vpop (xrf0)  }
0x165: {  	v1 =	vbroadcast v1, $0xF;
	_ =	sdelay $0x1  }
0x166: {  	s24 =	simm.s32 $0x10;
	v4 =	vsub.f32 v3, v1  }
0x167: {  	v5 =	vld [tilespmem:s24+$0x0]  }
0x168: {  	v3 =	vmul.f32 $1.442695020e+00, v4  }
0x169: {  	s23 =	simm.s32 $0x20  }
0x16a: {  	v6 =	vld [tilespmem:s23+$0x0];
	(erf) = vpow2.f32 v3;
	_ =	sdelay $0x1  }
0x16b: {  	v3 =	vsub.f32 v5, v1;
	_ =	sdelay $0x1  }
0x16c: {  	vm4 =	veq.f32 v4, $0.0e+00;
	v9 =	vmul.f32 $1.442695020e+00, v3  }
0x16d: {  	v8 =	vmpcnt.ones.xlane vm4;
	v5 =	vsub.f32 v6, v1;
	vm4 =	veq.f32 v3, $0.0e+00  }
0x16e: {  	v7 =	vimm.s32 $0x0;
	v10 =	vmpcnt.ones.xlane vm4;
	(erf) = vpow2.f32 v9  }
0x16f: {  	s25 =	simm.s32 $0x30;
	v6 =	vadd.s32 v7, v8;
	v9 =	vmul.f32 $1.442695020e+00, v5  }
0x170: {  	v6 =	vadd.s32 v6, v10;
	v10 =	vld [tilespmem:s25+$0x0]  }
0x171: {  	v8 =	vpop (erf);
	(erf) = vpow2.f32 v9  }
0x172: {  	vm4 =	veq.f32 v8, $0.0e+00  }
0x173: {  	vm5 =	veq.f32 v5, $0.0e+00;
	v11 =	vmpcnt.ones.xlane vm4;
	v12 =	vsel vm4, $0x3F800000, v0  }
0x174: {  	s26 =	simm.s32 $0x100;
	v8 =	vmpcnt.ones.xlane vm5;
	v9 =	vsub.f32 $1.000000000e+00, v12  }
.LBB2_32:
0x175: {  	v12 =	vsub.f32 v10, v1;
	v7 =	vadd.s32 v7, v11;
	s28 =	smov.u32 s25;
	s25 =	sshra.s32 s26, $0x2;
	p0 =	sne.s32 s26, $0x1FFC0  }
.Ltmp15:
0x176: {  	s26 =	sadd.s32 $0x40, s26;
	v10 =	vld [tilespmem:s25+$0x0];
	v6 =	vadd.s32 v6, v8;
	v8 =	vmul.f32 v9, v4;
	v4 =	vmovc v3;
	v3 =	vmov v5;
	(pc) =	sbr.rel @p0 .LBB2_32-.Ltmp15, $4  }
0x177: {  	v9 =	vmul.f32 $1.442695020e+00, v12;
	vm4 =	veq.f32 v12, $0.0e+00;
	v11 =	vpop (erf);
	v5 =	vmov v12  }
0x178: {  	vm5 =	veq.f32 v11, $0.0e+00;
	vm6 =	vlt.s32 v8, $0x0;
	v12 =	vxor.u32 $0x7FFFFFFF, v8  }
0x179: {  	v11 =	vmpcnt.ones.xlane vm5;
	v13 =	vsel vm5, $0x3F800000, v0;
	v12 =	vsel vm6, v12, v8  }
0x17a: {  	v8 =	vmpcnt.ones.xlane vm4;
	(erf) = vpow2.f32 v9;
	v9 =	vsub.f32 $1.000000000e+00, v13;
	[tilespmem:s22+$0x8000] =	vst v12;
	s22 =	smov.u32 s24;
	s24 =	smov.u32 s23;
	s23 =	smov.u32 s28  }
0x17b: {  	v10 =	vsub.f32 v10, v1;
	_ =	sdelay $0x1  }
0x17c: {  	v12 =	vmul.f32 $1.442695020e+00, v10;
	_ =	sdelay $0x1  }
0x17d: {  	(erf) = vpow2.f32 v12;
	_ =	sdelay $0x6  }
0x17e: {  	v51 =	vpop (erf)  }
0x17f: {  	vm4 =	veq.f32 v51, $0.0e+00;
	v52 =	vpop (erf)  }
0x180: {  	v13 =	vmpcnt.ones.xlane vm4;
	vm5 =	veq.f32 v52, $0.0e+00;
	v53 =	vpop (erf)  }
0x181: {  	v7 =	vadd.s32 v7, v11;
	v54 =	vmpcnt.ones.xlane vm5;
	vm6 =	veq.f32 v53, $0.0e+00  }
0x182: {  	v7 =	vadd.s32 v7, v13;
	v12 =	vmpcnt.ones.xlane vm6  }
0x183: {  	v7 =	vadd.s32 v7, v54  }
0x184: {  	v7 =	vadd.s32 v7, v12  }
0x185: {  	v7 =	vcvt.s32.f32 v7;
	_ =	sdelay $0x1  }
0x186: {  	v7 =	vmul.f32 $3.051757810e-05, v7;
	_ =	sdelay $0x1  }
0x187: {  	v2 =	vnsel vm2, $0xFF800000, v2;
	v55 =	vsub.f32 $1.000000000e+00, v7  }
0x188: {  	(xrf0) =	vmax.scan.msk.f32 $0xffff, v2  }
0x189: {  	(erf) = vrcp.f32 v55;
	_ =	sdelay $0x4  }
0x18a: {  	v2, _, _ =	vpop (xrf0)  }
0x18b: {  	v2 =	vbroadcast v2, $0xF;
	_ =	sdelay $0x1  }
0x18c: {  	v58 =	vsel vm5, $0x3F800000, v0;
	vm5 =	veq.f32 v10, $0.0e+00;
	v2 =	vsub.f32 v2, v7  }
0x18d: {  	v4 =	vmul.f32 v9, v4;
	v6 =	vadd.s32 v6, v8;
	v60 =	vmpcnt.ones.xlane vm5;
	v57 =	vpop (erf)  }
0x18e: {  	v59 =	vsub.f32 $1.000000000e+00, v58;
	v7 =	vsel vm4, $0x3F800000, v0;
	v2 =	vmul.f32 v57, v2  }
0x18f: {  	v56 =	vxor.u32 $0x7FFFFFFF, v4;
	v6 =	vadd.s32 v6, v60;
	v7 =	vsub.f32 $1.000000000e+00, v7  }
0x190: {  	v5 =	vmul.f32 v59, v5;
	v6 =	vsub.s32 $0x8000, v6;
	v2 =	vmax.f32 v2, $0.0e+00  }
0x191: {  	v3 =	vmul.f32 v7, v3;
	v7 =	vsel vm6, $0x3F800000, v0;
	v2 =	vmin.f32 v2, $1.000000000e+00  }
0x192: {  	vm4 =	vlt.s32 v4, $0x0;
	v7 =	vsub.f32 $1.000000000e+00, v7;
	v2 =	vmul.f32 $3.276700000e+04, v2  }
0x193: {  	vm5 =	vlt.s32 v5, $0x0;
	v4 =	vsel vm4, v56, v4;
	vm4 =	vlt.s32 v3, $0x0  }
0x194: {  	v61 =	vxor.u32 $0x7FFFFFFF, v3;
	v7 =	vmul.f32 v7, v10;
	v63 =	vtrunc.f32 v2  }
0x195: {  	v62 =	vxor.u32 $0x7FFFFFFF, v5;
	[tilespmem:s22+$0x8000] =	vst v4;
	v4 =	vsel vm4, v61, v3;
	v3 =	vcvt.f32.s32 v63  }
0x196: {  	v5 =	vsel vm5, v62, v5;
	[tilespmem:s24+$0x8000] =	vst v4;
	vm4 =	vlt.s32 v7, $0x0;
	v4 =	vxor.u32 $0x7FFFFFFF, v7  }
0x197: {  	[tilespmem:s23+$0x8000] =	vst v5;
	v4 =	vsel vm4, v4, v7;
	vm4 =	vgt.s32 v6, v3  }
0x198: {  	s22 =	simm.s32 $0x0;
	[tilespmem:s25+$0x8000] =	vst v4;
	v4 =	vsel vm4, $0x80000000, v0  }
.LBB2_34:
0x199: {  	s23 =	sshrl.u32 s18, s22;
	s24 =	simm.s32 $0x0  }
0x19a: {  	v6 =	vimm.s32 $0x0;
	v5 =	vadd.s32 s23, v4;
	s23 =	simm.s32 $0x40;
	v7 =	vld [tilespmem:s24+$0x8000]  }
.LBB2_35:
0x19b: {  	_ =	sdelay $0x1  }
0x19c: {  	p0 =	sne.s32 s23, $0x1FFC0  }
.Ltmp16:
0x19d: {  	_ = 	snop;
	(pc) =	sbr.rel @p0 .LBB2_35-.Ltmp16, $4  }
0x19e: {  	vm4 =	vlt.s32 v7, v5  }
0x19f: {  	v8 =	vmpcnt.ones.xlane vm4  }
0x1a0: {  	s24 =	sshra.s32 s23, $0x2  }
0x1a1: {  	s23 =	sadd.s32 $0x40, s23;
	v7 =	vld [tilespmem:s24+$0x8000];
	v6 =	vadd.s32 v6, v8  }
0x1a2: {  	_ =	sdelay $0x2  }
0x1a3: {  	s22 =	sadd.s32 $0x1, s22  }
0x1a4: {  	p0 =	seq.s32 s22, $0x13;
	vm4 =	vlt.s32 v7, v5  }
.Ltmp17:
0x1a5: {  	v7 =	vmpcnt.ones.xlane vm4;
	(pc) =	sbr.rel @!p0 .LBB2_34-.Ltmp17, $4  }
0x1a6: {  	_ = 	snop  }
0x1a7: {  	v6 =	vadd.s32 v6, v7  }
0x1a8: {  	vm4 =	vgt.s32 v6, v3  }
0x1a9: {  	v4 =	vsel vm4, v4, v5  }
0x1aa: {  	s23 =	simm.s32 $0x0  }
0x1ab: {  	v7 =	vadd.s32 $0x1000, v4;
	v5 =	vimm.s32 $0x0;
	v6 =	vimm.s32 $0x7FFFFFFF;
	s22 =	simm.s32 $0x40;
	v8 =	vld [tilespmem:s23+$0x8000]  }
.LBB2_38:
0x1ac: {  	_ =	sdelay $0x1  }
0x1ad: {  	p0 =	sne.s32 s22, $0x1FFC0  }
.Ltmp18:
0x1ae: {  	_ = 	snop;
	(pc) =	sbr.rel @p0 .LBB2_38-.Ltmp18, $4  }
0x1af: {  	vm4 =	vlt.s32 v8, v7  }
0x1b0: {  	v9 =	vmpcnt.ones.xlane vm4;
	v10 =	vsel vm4, $0x7FFFFFFF, v8  }
0x1b1: {  	s23 =	sshra.s32 s22, $0x2;
	vm4 =	vlt.s32 v6, v10  }
0x1b2: {  	s22 =	sadd.s32 $0x40, s22;
	v8 =	vld [tilespmem:s23+$0x8000];
	v5 =	vadd.s32 v5, v9;
	v6 =	vsel vm4, v6, v10  }
0x1b3: {  	_ =	sdelay $0x3  }
0x1b4: {  	vm4 =	vlt.s32 v8, v7  }
0x1b5: {  	v7 =	vsel vm4, $0x7FFFFFFF, v8  }
0x1b6: {  	vm5 =	vlt.s32 v6, v7  }
0x1b7: {  	v6 =	vsel vm5, v6, v7  }
0x1b8: {  	v6 =	vxor.u32 $0x80000000, v6  }
0x1b9: {  	(xrf0) =	vmin.scan.msk.u32 $0xffff, v6;
	_ =	sdelay $0x5  }
0x1ba: {  	v6, _, _ =	vpop (xrf0)  }
0x1bb: {  	(v2sf) =	vpush v6, $0xF;
	_ =	sdelay $0xe  }
0x1bc: {  	s22 =	spop (v2sf)  }
0x1bd: {  	s22 =	sxor.u32 $0x80000000, s22  }
0x1be: {  	v6 =	vmpcnt.ones.xlane vm4;
	v7 =	vmov s22  }
0x1bf: {  	v8 =	vcvt.s32.f32 v3;
	v7 =	vand.u32 $0xFFFFF000, v7  }
0x1c0: {  	v3 =	vadd.s32 $0x2, v3;
	v5 =	vadd.s32 v5, v6;
	v6 =	vbroadcast v7, $0x0  }
0x1c1: {  	vm4 =	vlt.s32 v5, v3;
	s22 =	simm.s32 $0x0  }
0x1c2: {  	v3 =	vsel vm4, v6, v4;
	v6 =	vld [tilespmem:s22+$0x0]  }
0x1c3: {  	v2 =	vsub.f32 v2, v8;
	v5 =	vxor.u32 $0x7FFFFFFF, v4;
	vm4 =	vlt.s32 v4, $0x0  }
0x1c4: {  	v4 =	vsel vm4, v5, v4;
	vm4 =	vlt.s32 v3, $0x0;
	v5 =	vxor.u32 $0x7FFFFFFF, v3  }
0x1c5: {  	s23 =	simm.s32 $0x10;
	v3 =	vsel vm4, v5, v3;
	vm4 =	vgt.f32 v2, $0.0e+00;
	v5 =	vsub.f32 $1.000000000e+00, v2  }
0x1c6: {  	v7 =	vld [tilespmem:s23+$0x0];
	v3 =	vsel vm4, v3, v4  }
0x1c7: {  	v4 =	vmul.f32 v4, v5;
	v2 =	vmul.f32 v3, v2;
	v6 =	vsub.f32 v6, v1;
	_ =	sdelay $0x1  }
0x1c8: {  	v2 =	vadd.f32 v2, v4;
	v4 =	vmul.f32 $1.442695020e+00, v6;
	_ =	sdelay $0x1  }
0x1c9: {  	v3 =	vsub.f32 v7, v1;
	(erf) = vpow2.f32 v4;
	_ =	sdelay $0x1  }
0x1ca: {  	s24 =	simm.s32 $0x20;
	v7 =	vmul.f32 $1.442695020e+00, v3  }
0x1cb: {  	v5 =	vld [tilespmem:s24+$0x0]  }
0x1cc: {  	(erf) = vpow2.f32 v7  }
0x1cd: {  	v2 =	vsub.f32 $9.999999930e-09, v2;
	_ =	sdelay $0x1  }
0x1ce: {  	s25 =	simm.s32 $0xC0;
	v4 =	vimm.f32 $0.0e+00;
	v6 =	vadd.f32 v6, v2  }
.LBB2_40:
0x1cf: {  	s26 =	sshra.s32 s25, $0x2;
	p0 =	sne.s32 s25, $0x1FFC0;
	s25 =	sadd.s32 $0x40, s25;
	v7 =	vsub.f32 v5, v1  }
.Ltmp19:
0x1d0: {  	v5 =	vld [tilespmem:s26+$0x0];
	v6 =	vmax.f32 v6, $0.0e+00;
	v8 =	vpop (erf);
	(pc) =	sbr.rel @p0 .LBB2_40-.Ltmp19, $3  }
0x1d1: {  	v9 =	vmul.f32 $1.442695020e+00, v7;
	v6 =	vmul.f32 v6, v8;
	_ =	sdelay $0x1  }
0x1d2: {  	(erf) = vpow2.f32 v9;
	[tilespmem:s22+$0x10000] =	vst v6;
	v4 =	vadd.f32 v6, v4;
	s22 =	smov.u32 s23;
	s23 =	smov.u32 s24;
	s24 =	smov.u32 s26  }
0x1d3: {  	v6 =	vadd.f32 v3, v2;
	v3 =	vmov v7  }
0x1d4: {  	v1 =	vsub.f32 v5, v1;
	_ =	sdelay $0x1  }
0x1d5: {  	v5 =	vmul.f32 $1.442695020e+00, v1;
	_ =	sdelay $0x1  }
0x1d6: {  	(erf) = vpow2.f32 v5;
	_ =	sdelay $0x4  }
0x1d7: {  	v61 =	vpop (erf);
	v3 =	vadd.f32 v3, v2;
	v6 =	vmax.f32 v6, $0.0e+00  }
0x1d8: {  	v5 =	vmul.f32 v6, v61  }
0x1d9: {  	v3 =	vmax.f32 v3, $0.0e+00;
	v1 =	vadd.f32 v1, v2;
	v62 =	vpop (erf)  }
0x1da: {  	v2 =	vadd.f32 v5, v4;
	v3 =	vmul.f32 v3, v62  }
0x1db: {  	v1 =	vmax.f32 v1, $0.0e+00;
	v63 =	vpop (erf)  }
0x1dc: {  	v2 =	vadd.f32 v3, v2;
	v1 =	vmul.f32 v1, v63;
	_ =	sdelay $0x1  }
0x1dd: {  	v2 =	vadd.f32 v1, v2;
	_ =	sdelay $0x1  }
0x1de: {  	(xrf2) =	vadd.scan.msk.f32 $0xffff, v2;
	_ =	sdelay $0x9  }
0x1df: {  	v2, _, _ =	vpop (xrf2)  }
0x1e0: {  	v2 =	vbroadcast v2, $0xF;
	_ =	sdelay $0x1  }
0x1e1: {  	(erf) = vrcp.f32 v2;
	_ =	sdelay $0x6  }
0x1e2: {  	[tilespmem:s22+$0x10000] =	vst v5  }
0x1e3: {  	[tilespmem:s23+$0x10000] =	vst v3  }
0x1e4: {  	s22 =	simm.s32 $0x0;
	s23 =	simm.s32 $0x40;
	[tilespmem:s24+$0x10000] =	vst v1;
	v1 =	vpop (erf)  }
.LBB2_42:
0x1e5: {  	p0 =	sne.s32 s23, $0x1FFC0;
	v2 =	vld [tilespmem:s22+$0x10000];
	_ =	sdelay $0x2  }
.Ltmp20:
0x1e6: {  	(pc) =	sbr.rel @p0 .LBB2_42-.Ltmp20, $3  }
0x1e7: {  	_ = 	snop  }
0x1e8: {  	v2 =	vmul.f32 v2, v1;
	_ =	sdelay $0x1  }
0x1e9: {  	[tilespmem:s22+$0x10000] =	vst v2;
	s22 =	sshra.s32 s23, $0x2;
	s23 =	sadd.s32 $0x40, s23  }
0x1ea: {  	v2 =	vld [tilespmem:s22+$0x10000];
	_ =	sdelay $0x4  }
0x1eb: {  	v1 =	vmul.f32 v2, v1;
	_ =	sdelay $0x1  }
0x1ec: {  	[tilespmem:s22+$0x10000] =	vst v1  }
0x1ed: {  	[hbm4b:s10+s16] =	stream.strided.scatter [tilespmem:s19], [sflag:$0x1], $0x8000, s17, s16, $0x38;
	[tilespmem:$0x18080] =	vst v63  }
0x1ee: {  	_ =	swait.ge [sflag:s15], $0x8000  }
0x1ef: {  	[sflag:s15] =	ssyncset.done $0x0  }
0x1f0: {  	s30 =	simm.s32 $0x0;
	[sflag:s15] =	ssyncadd.s32 $0xFFFF8000  }
0x1f1: {  	[tilespmem:s30], [sflag:$0x1] =	stream.strided.gather [hbm4b:s11+s16], $0x8000, s17, s16, $0x38;
	[tilespmem:$0x18080] =	vst v63  }
0x1f2: {  	_ =	swait.ge [sflag:s15], $0x8000  }
0x1f3: {  	[sflag:s15] =	ssyncset.done $0x0  }
0x1f4: {  	[sflag:s15] =	ssyncadd.s32 $0xFFFF8000  }
0x1f5: {  	s31 =	simm.s32 $0x0;
	v2 =	vld [tilespmem:s21+$0x18000]  }
0x1f6: {  	v1 =	vimm.f32 $-Inf;
	s21 =	simm.s32 $0x40;
	v3 =	vld [tilespmem:s31+$0x0]  }
.LBB2_44:
0x1f7: {  	p0 =	sne.s32 s21, $0x1FFC0  }
.Ltmp21:
0x1f8: {  	_ = 	snop;
	(pc) =	sbr.rel @p0 .LBB2_44-.Ltmp21, $3  }
0x1f9: {  	_ =	sdelay $0x1  }
0x1fa: {  	s22 =	sshra.s32 s21, $0x2;
	s21 =	sadd.s32 $0x40, s21;
	v1 =	vmax.f32 v1, v3  }
0x1fb: {  	v3 =	vld [tilespmem:s22+$0x0]  }
0x1fc: {  	_ =	sdelay $0x3  }
0x1fd: {  	v1 =	vmax.f32 v1, v3  }
0x1fe: {  	(xrf0) =	vmax.scan.msk.f32 $0xffff, v1;
	_ =	sdelay $0x2  }
0x1ff: {  	s21 =	simm.s32 $0x0  }
0x200: {  	v3 =	vld [tilespmem:s21+$0x0];
	_ =	sdelay $0x1  }
0x201: {  	v1, _, _ =	vpop (xrf0)  }
0x202: {  	v1 =	vbroadcast v1, $0xF;
	_ =	sdelay $0x1  }
0x203: {  	s23 =	simm.s32 $0x10;
	v4 =	vsub.f32 v3, v1  }
0x204: {  	v5 =	vld [tilespmem:s23+$0x0]  }
0x205: {  	v3 =	vmul.f32 $1.442695020e+00, v4  }
0x206: {  	s22 =	simm.s32 $0x20  }
0x207: {  	v6 =	vld [tilespmem:s22+$0x0];
	(erf) = vpow2.f32 v3;
	_ =	sdelay $0x1  }
0x208: {  	v3 =	vsub.f32 v5, v1;
	_ =	sdelay $0x1  }
0x209: {  	vm4 =	veq.f32 v4, $0.0e+00;
	v9 =	vmul.f32 $1.442695020e+00, v3  }
0x20a: {  	v8 =	vmpcnt.ones.xlane vm4;
	v5 =	vsub.f32 v6, v1;
	vm4 =	veq.f32 v3, $0.0e+00  }
0x20b: {  	v7 =	vimm.s32 $0x0;
	v10 =	vmpcnt.ones.xlane vm4;
	(erf) = vpow2.f32 v9  }
0x20c: {  	s24 =	simm.s32 $0x30;
	v6 =	vadd.s32 v7, v8;
	v9 =	vmul.f32 $1.442695020e+00, v5  }
0x20d: {  	v6 =	vadd.s32 v6, v10;
	v10 =	vld [tilespmem:s24+$0x0]  }
0x20e: {  	v8 =	vpop (erf);
	(erf) = vpow2.f32 v9  }
0x20f: {  	vm4 =	veq.f32 v8, $0.0e+00  }
0x210: {  	vm5 =	veq.f32 v5, $0.0e+00;
	v11 =	vmpcnt.ones.xlane vm4;
	v12 =	vsel vm4, $0x3F800000, v0  }
0x211: {  	s25 =	simm.s32 $0x100;
	v8 =	vmpcnt.ones.xlane vm5;
	v9 =	vsub.f32 $1.000000000e+00, v12  }
.LBB2_46:
0x212: {  	v12 =	vsub.f32 v10, v1;
	v7 =	vadd.s32 v7, v11;
	s26 =	smov.u32 s24;
	s24 =	sshra.s32 s25, $0x2;
	p0 =	sne.s32 s25, $0x1FFC0  }
.Ltmp22:
0x213: {  	s25 =	sadd.s32 $0x40, s25;
	v10 =	vld [tilespmem:s24+$0x0];
	v6 =	vadd.s32 v6, v8;
	v8 =	vmul.f32 v9, v4;
	v4 =	vmovc v3;
	v3 =	vmov v5;
	(pc) =	sbr.rel @p0 .LBB2_46-.Ltmp22, $4  }
0x214: {  	v9 =	vmul.f32 $1.442695020e+00, v12;
	vm4 =	veq.f32 v12, $0.0e+00;
	v11 =	vpop (erf);
	v5 =	vmov v12  }
0x215: {  	vm5 =	veq.f32 v11, $0.0e+00;
	vm6 =	vlt.s32 v8, $0x0;
	v12 =	vxor.u32 $0x7FFFFFFF, v8  }
0x216: {  	v11 =	vmpcnt.ones.xlane vm5;
	v13 =	vsel vm5, $0x3F800000, v0;
	v12 =	vsel vm6, v12, v8  }
0x217: {  	v8 =	vmpcnt.ones.xlane vm4;
	(erf) = vpow2.f32 v9;
	v9 =	vsub.f32 $1.000000000e+00, v13;
	[tilespmem:s21+$0x8000] =	vst v12;
	s21 =	smov.u32 s23;
	s23 =	smov.u32 s22;
	s22 =	smov.u32 s26  }
0x218: {  	v10 =	vsub.f32 v10, v1;
	_ =	sdelay $0x1  }
0x219: {  	v12 =	vmul.f32 $1.442695020e+00, v10;
	_ =	sdelay $0x1  }
0x21a: {  	(erf) = vpow2.f32 v12;
	_ =	sdelay $0x6  }
0x21b: {  	v51 =	vpop (erf)  }
0x21c: {  	vm4 =	veq.f32 v51, $0.0e+00;
	v52 =	vpop (erf)  }
0x21d: {  	v13 =	vmpcnt.ones.xlane vm4;
	vm5 =	veq.f32 v52, $0.0e+00;
	v53 =	vpop (erf)  }
0x21e: {  	v7 =	vadd.s32 v7, v11;
	v54 =	vmpcnt.ones.xlane vm5;
	vm6 =	veq.f32 v53, $0.0e+00  }
0x21f: {  	v7 =	vadd.s32 v7, v13;
	v12 =	vmpcnt.ones.xlane vm6  }
0x220: {  	v7 =	vadd.s32 v7, v54  }
0x221: {  	v7 =	vadd.s32 v7, v12  }
0x222: {  	v7 =	vcvt.s32.f32 v7;
	_ =	sdelay $0x1  }
0x223: {  	v7 =	vmul.f32 $3.051757810e-05, v7;
	_ =	sdelay $0x1  }
0x224: {  	v2 =	vnsel vm3, $0xFF800000, v2;
	v55 =	vsub.f32 $1.000000000e+00, v7  }
0x225: {  	(xrf0) =	vmax.scan.msk.f32 $0xffff, v2  }
0x226: {  	(erf) = vrcp.f32 v55;
	_ =	sdelay $0x4  }
0x227: {  	v2, _, _ =	vpop (xrf0)  }
0x228: {  	v2 =	vbroadcast v2, $0xF;
	_ =	sdelay $0x1  }
0x229: {  	v58 =	vsel vm5, $0x3F800000, v0;
	vm5 =	veq.f32 v10, $0.0e+00;
	v2 =	vsub.f32 v2, v7  }
0x22a: {  	v4 =	vmul.f32 v9, v4;
	v6 =	vadd.s32 v6, v8;
	v60 =	vmpcnt.ones.xlane vm5;
	v57 =	vpop (erf)  }
0x22b: {  	v59 =	vsub.f32 $1.000000000e+00, v58;
	v7 =	vsel vm4, $0x3F800000, v0;
	v2 =	vmul.f32 v57, v2  }
0x22c: {  	v56 =	vxor.u32 $0x7FFFFFFF, v4;
	v6 =	vadd.s32 v6, v60;
	v7 =	vsub.f32 $1.000000000e+00, v7  }
0x22d: {  	v5 =	vmul.f32 v59, v5;
	v6 =	vsub.s32 $0x8000, v6;
	v2 =	vmax.f32 v2, $0.0e+00  }
0x22e: {  	v3 =	vmul.f32 v7, v3;
	v7 =	vsel vm6, $0x3F800000, v0;
	v2 =	vmin.f32 v2, $1.000000000e+00  }
0x22f: {  	vm4 =	vlt.s32 v4, $0x0;
	v7 =	vsub.f32 $1.000000000e+00, v7;
	v2 =	vmul.f32 $3.276700000e+04, v2  }
0x230: {  	vm5 =	vlt.s32 v5, $0x0;
	v4 =	vsel vm4, v56, v4;
	vm4 =	vlt.s32 v3, $0x0  }
0x231: {  	v61 =	vxor.u32 $0x7FFFFFFF, v3;
	v7 =	vmul.f32 v7, v10;
	v63 =	vtrunc.f32 v2  }
0x232: {  	v62 =	vxor.u32 $0x7FFFFFFF, v5;
	[tilespmem:s21+$0x8000] =	vst v4;
	v4 =	vsel vm4, v61, v3;
	v3 =	vcvt.f32.s32 v63  }
0x233: {  	v5 =	vsel vm5, v62, v5;
	[tilespmem:s23+$0x8000] =	vst v4;
	vm4 =	vlt.s32 v7, $0x0;
	v4 =	vxor.u32 $0x7FFFFFFF, v7  }
0x234: {  	[tilespmem:s22+$0x8000] =	vst v5;
	v4 =	vsel vm4, v4, v7;
	vm4 =	vgt.s32 v6, v3  }
0x235: {  	s21 =	simm.s32 $0x0;
	[tilespmem:s24+$0x8000] =	vst v4;
	v4 =	vsel vm4, $0x80000000, v0  }
.LBB2_48:
0x236: {  	s22 =	sshrl.u32 s18, s21;
	s23 =	simm.s32 $0x0  }
0x237: {  	v6 =	vimm.s32 $0x0;
	v5 =	vadd.s32 s22, v4;
	s22 =	simm.s32 $0x40;
	v7 =	vld [tilespmem:s23+$0x8000]  }
.LBB2_49:
0x238: {  	_ =	sdelay $0x1  }
0x239: {  	p0 =	sne.s32 s22, $0x1FFC0  }
.Ltmp23:
0x23a: {  	_ = 	snop;
	(pc) =	sbr.rel @p0 .LBB2_49-.Ltmp23, $4  }
0x23b: {  	vm4 =	vlt.s32 v7, v5  }
0x23c: {  	v8 =	vmpcnt.ones.xlane vm4  }
0x23d: {  	s23 =	sshra.s32 s22, $0x2  }
0x23e: {  	s22 =	sadd.s32 $0x40, s22;
	v7 =	vld [tilespmem:s23+$0x8000];
	v6 =	vadd.s32 v6, v8  }
0x23f: {  	_ =	sdelay $0x2  }
0x240: {  	s21 =	sadd.s32 $0x1, s21  }
0x241: {  	p0 =	seq.s32 s21, $0x13;
	vm4 =	vlt.s32 v7, v5  }
.Ltmp24:
0x242: {  	v7 =	vmpcnt.ones.xlane vm4;
	(pc) =	sbr.rel @!p0 .LBB2_48-.Ltmp24, $4  }
0x243: {  	_ = 	snop  }
0x244: {  	v6 =	vadd.s32 v6, v7  }
0x245: {  	vm4 =	vgt.s32 v6, v3  }
0x246: {  	v4 =	vsel vm4, v4, v5  }
0x247: {  	s22 =	simm.s32 $0x0  }
0x248: {  	v7 =	vadd.s32 $0x1000, v4;
	v5 =	vimm.s32 $0x0;
	v6 =	vimm.s32 $0x7FFFFFFF;
	s21 =	simm.s32 $0x40;
	v8 =	vld [tilespmem:s22+$0x8000]  }
.LBB2_52:
0x249: {  	_ =	sdelay $0x1  }
0x24a: {  	p0 =	sne.s32 s21, $0x1FFC0  }
.Ltmp25:
0x24b: {  	_ = 	snop;
	(pc) =	sbr.rel @p0 .LBB2_52-.Ltmp25, $4  }
0x24c: {  	vm4 =	vlt.s32 v8, v7  }
0x24d: {  	v9 =	vmpcnt.ones.xlane vm4;
	v10 =	vsel vm4, $0x7FFFFFFF, v8  }
0x24e: {  	s22 =	sshra.s32 s21, $0x2;
	vm4 =	vlt.s32 v6, v10  }
0x24f: {  	s21 =	sadd.s32 $0x40, s21;
	v8 =	vld [tilespmem:s22+$0x8000];
	v5 =	vadd.s32 v5, v9;
	v6 =	vsel vm4, v6, v10  }
0x250: {  	_ =	sdelay $0x3  }
0x251: {  	vm4 =	vlt.s32 v8, v7  }
0x252: {  	v7 =	vsel vm4, $0x7FFFFFFF, v8  }
0x253: {  	vm5 =	vlt.s32 v6, v7  }
0x254: {  	v6 =	vsel vm5, v6, v7  }
0x255: {  	v6 =	vxor.u32 $0x80000000, v6  }
0x256: {  	(xrf0) =	vmin.scan.msk.u32 $0xffff, v6;
	_ =	sdelay $0x5  }
0x257: {  	v6, _, _ =	vpop (xrf0)  }
0x258: {  	(v2sf) =	vpush v6, $0xF;
	_ =	sdelay $0xe  }
0x259: {  	s21 =	spop (v2sf)  }
0x25a: {  	s21 =	sxor.u32 $0x80000000, s21  }
0x25b: {  	v6 =	vmpcnt.ones.xlane vm4;
	v7 =	vmov s21  }
0x25c: {  	v8 =	vcvt.s32.f32 v3;
	v7 =	vand.u32 $0xFFFFF000, v7  }
0x25d: {  	v3 =	vadd.s32 $0x2, v3;
	v5 =	vadd.s32 v5, v6;
	v6 =	vbroadcast v7, $0x0  }
0x25e: {  	vm4 =	vlt.s32 v5, v3;
	s21 =	simm.s32 $0x0  }
0x25f: {  	v3 =	vsel vm4, v6, v4;
	v6 =	vld [tilespmem:s21+$0x0]  }
0x260: {  	v2 =	vsub.f32 v2, v8;
	v5 =	vxor.u32 $0x7FFFFFFF, v4;
	vm4 =	vlt.s32 v4, $0x0  }
0x261: {  	v4 =	vsel vm4, v5, v4;
	vm4 =	vlt.s32 v3, $0x0;
	v5 =	vxor.u32 $0x7FFFFFFF, v3  }
0x262: {  	s22 =	simm.s32 $0x10;
	v3 =	vsel vm4, v5, v3;
	vm4 =	vgt.f32 v2, $0.0e+00;
	v5 =	vsub.f32 $1.000000000e+00, v2  }
0x263: {  	v7 =	vld [tilespmem:s22+$0x0];
	v3 =	vsel vm4, v3, v4  }
0x264: {  	v4 =	vmul.f32 v4, v5;
	v2 =	vmul.f32 v3, v2;
	v6 =	vsub.f32 v6, v1;
	_ =	sdelay $0x1  }
0x265: {  	v2 =	vadd.f32 v2, v4;
	v4 =	vmul.f32 $1.442695020e+00, v6;
	_ =	sdelay $0x1  }
0x266: {  	v3 =	vsub.f32 v7, v1;
	(erf) = vpow2.f32 v4;
	_ =	sdelay $0x1  }
0x267: {  	s23 =	simm.s32 $0x20;
	v7 =	vmul.f32 $1.442695020e+00, v3  }
0x268: {  	v5 =	vld [tilespmem:s23+$0x0]  }
0x269: {  	(erf) = vpow2.f32 v7  }
0x26a: {  	v2 =	vsub.f32 $9.999999930e-09, v2;
	_ =	sdelay $0x1  }
0x26b: {  	s24 =	simm.s32 $0xC0;
	v4 =	vimm.f32 $0.0e+00;
	v6 =	vadd.f32 v6, v2  }
.LBB2_54:
0x26c: {  	s25 =	sshra.s32 s24, $0x2;
	p0 =	sne.s32 s24, $0x1FFC0;
	s24 =	sadd.s32 $0x40, s24;
	v7 =	vsub.f32 v5, v1  }
.Ltmp26:
0x26d: {  	v5 =	vld [tilespmem:s25+$0x0];
	v6 =	vmax.f32 v6, $0.0e+00;
	v8 =	vpop (erf);
	(pc) =	sbr.rel @p0 .LBB2_54-.Ltmp26, $3  }
0x26e: {  	v9 =	vmul.f32 $1.442695020e+00, v7;
	v6 =	vmul.f32 v6, v8;
	_ =	sdelay $0x1  }
0x26f: {  	(erf) = vpow2.f32 v9;
	[tilespmem:s21+$0x10000] =	vst v6;
	v4 =	vadd.f32 v6, v4;
	s21 =	smov.u32 s22;
	s22 =	smov.u32 s23;
	s23 =	smov.u32 s25  }
0x270: {  	v6 =	vadd.f32 v3, v2;
	v3 =	vmov v7  }
0x271: {  	v1 =	vsub.f32 v5, v1;
	_ =	sdelay $0x1  }
0x272: {  	v5 =	vmul.f32 $1.442695020e+00, v1;
	_ =	sdelay $0x1  }
0x273: {  	(erf) = vpow2.f32 v5;
	_ =	sdelay $0x4  }
0x274: {  	v61 =	vpop (erf);
	v3 =	vadd.f32 v3, v2;
	v6 =	vmax.f32 v6, $0.0e+00  }
0x275: {  	v5 =	vmul.f32 v6, v61  }
0x276: {  	v3 =	vmax.f32 v3, $0.0e+00;
	v1 =	vadd.f32 v1, v2;
	v62 =	vpop (erf)  }
0x277: {  	v2 =	vadd.f32 v5, v4;
	v3 =	vmul.f32 v3, v62  }
0x278: {  	v1 =	vmax.f32 v1, $0.0e+00;
	v63 =	vpop (erf)  }
0x279: {  	v2 =	vadd.f32 v3, v2;
	v1 =	vmul.f32 v1, v63;
	_ =	sdelay $0x1  }
0x27a: {  	v2 =	vadd.f32 v1, v2;
	_ =	sdelay $0x1  }
0x27b: {  	(xrf2) =	vadd.scan.msk.f32 $0xffff, v2;
	_ =	sdelay $0x9  }
0x27c: {  	v2, _, _ =	vpop (xrf2)  }
0x27d: {  	v2 =	vbroadcast v2, $0xF;
	_ =	sdelay $0x1  }
0x27e: {  	(erf) = vrcp.f32 v2;
	_ =	sdelay $0x6  }
0x27f: {  	[tilespmem:s21+$0x10000] =	vst v5  }
0x280: {  	[tilespmem:s22+$0x10000] =	vst v3  }
0x281: {  	s21 =	simm.s32 $0x0;
	s22 =	simm.s32 $0x40;
	[tilespmem:s23+$0x10000] =	vst v1;
	v1 =	vpop (erf)  }
.LBB2_56:
0x282: {  	p0 =	sne.s32 s22, $0x1FFC0;
	v2 =	vld [tilespmem:s21+$0x10000];
	_ =	sdelay $0x2  }
.Ltmp27:
0x283: {  	(pc) =	sbr.rel @p0 .LBB2_56-.Ltmp27, $3  }
0x284: {  	_ = 	snop  }
0x285: {  	v2 =	vmul.f32 v2, v1;
	_ =	sdelay $0x1  }
0x286: {  	[tilespmem:s21+$0x10000] =	vst v2;
	s21 =	sshra.s32 s22, $0x2;
	s22 =	sadd.s32 $0x40, s22  }
0x287: {  	v2 =	vld [tilespmem:s21+$0x10000];
	_ =	sdelay $0x4  }
0x288: {  	s20 =	sadd.s32 $0x1, s20;
	v1 =	vmul.f32 v2, v1  }
0x289: {  	p0 =	sne.s32 s20, s13  }
.Ltmp28:
0x28a: {  	[tilespmem:s21+$0x10000] =	vst v1;
	(pc) =	sbr.rel @p0 .LBB2_1-.Ltmp28, $4  }
0x28b: {  	[hbm4b:s12+s16] =	stream.strided.scatter [tilespmem:s19], [sflag:$0x1], $0x8000, s17, s16, $0x38;
	[tilespmem:$0x18080] =	vst v63  }
0x28c: {  	_ =	swait.ge [sflag:s15], $0x8000  }
0x28d: {  	[sflag:s15] =	ssyncset.done $0x0  }
0x28e: {  	[sflag:s15] =	ssyncadd.s32 $0xFFFF8000  }
0x28f: {  	_ =	sfence.sel $0x180000  }
0x290: {  	[bflag:$0x0] =	sbarrier.arrive $0xFFFF  }
0x291: {  	p0 =	sne.s32 s2, $0x0;
	_ =	strace $0x90000047  }
0x292: {  	s0 =	sadd.s32 @!p0 $0x100000, s0;
	[bflag:$0x2] =	sbarrier.arrive $0xFFFF  }
0x293: {  	[sflag:s0] =	ssyncadd.tile.s32 @!p0 $0x1;
	_ =	shalt  }
.Lfunc_end2:
_tile_overlayer_lowered:
.L_overlay_start_2:
0x294: {  	(tag) =	ssettag $0x2  }
0x295: {  	s0 =	rddreg [dreg:$0x0];
	s2 =	stileid.u32  }
0x296: {  	s1 =	rddreg [dreg:$0x1];
	p0 =	sne.s32 s2, $0x0  }
0x297: {  	s3 =	rddreg [dreg:$0x2];
	[bflag:$0x3] =	sbarrier.arrive $0xFFFF;
	s2 =	simm.s32 @!p0 $0x1C01  }
0x298: {  	[timem:s3], [sflag:s2] =	dma.local @!p0 [hbm:s0], s1  }
0x299: {  	s0 =	simm.s32 @!p0 $0x1  }
0x29a: {  	_ =	swait.ge @!p0 [sflag:s0], s1  }
0x29b: {  	s1 =	ssub.s32 @!p0 $0x0, s1;
	[sflag:s0] =	ssyncset.done @!p0 $0x0  }
0x29c: {  	[sflag:s0] =	ssyncadd.s32 @!p0 s1  }
0x29d: {  	[bflag:$0x3] =	sbarrier.arrive $0xFFFF  }
0x29e: {  	_ =	shalt  }

</sc_bundles>
